<compile_context>
chip_gen: v7x
topology: tpu7x:2x2x1
jax: 0.10.2.dev20260603
libtpu: 0.0.44.dev20260713+nightly
codegen_flags: <defaults>
</compile_context>

<pallas_src>
import dataclasses
import functools

import jax
import jax.numpy as jnp
from jax import lax
from jax.experimental import pallas as pl
from jax.experimental.pallas import tpu as pltpu
from jax.experimental.pallas import tpu_sc as plsc

_NUM_CLASSES = 1000
_LS = 0.1
_COLD = _LS / (_NUM_CLASSES - 1)
_HOT = (1.0 - _LS) + _COLD

_B = 1024
_S = 50
_SPAD = 64
_L = 16
_NW = 32
_BPW = _B // _NW


def kernel(x_i):
    xpad = jnp.pad(x_i, ((0, 0), (0, _SPAD - _S)))

    mesh = plsc.VectorSubcoreMesh(core_axis_name="c", subcore_axis_name="s")
    cp = pltpu.CompilerParams()
    if "needs_layout_passes" in pltpu.CompilerParams.__dataclass_fields__:
        cp = dataclasses.replace(cp, needs_layout_passes=False)

    @functools.partial(
        pl.kernel,
        out_type=jax.ShapeDtypeStruct((_B, _S, _NUM_CLASSES), jnp.float32),
        mesh=mesh,
        compiler_params=cp,
        scratch_types=[
            pltpu.VMEM((_BPW, _SPAD), jnp.int32),
            pltpu.VMEM((_S, _NUM_CLASSES), jnp.float32),
            pltpu.VMEM((_S, _NUM_CLASSES), jnp.float32),
            pltpu.SemaphoreType.DMA,
            pltpu.SemaphoreType.DMA,
            pltpu.SemaphoreType.DMA,
        ],
    )
    def sc_onehot(x_hbm, o_hbm, idx_v, buf_a, buf_b, sem_i, sem_a, sem_b):
        wid = lax.axis_index("s") * 2 + lax.axis_index("c")
        base = wid * _BPW
        pltpu.async_copy(x_hbm.at[pl.ds(base, _BPW)], idx_v, sem_i).wait()

        cold16 = jnp.full((_L,), _COLD, jnp.float32)
        hot16 = jnp.full((_L,), _HOT, jnp.float32)
        iota16 = lax.iota(jnp.int32, _L)

        for buf in (buf_a, buf_b):

            @pl.loop(0, _S)
            def _(i, buf=buf):
                for j in range(_NUM_CLASSES // _L):
                    buf[i, pl.ds(pl.multiple_of(j * _L, _L), _L)] = cold16

            tail = _NUM_CLASSES - (_NUM_CLASSES % _L)
            for g in range(4):
                s16 = iota16 + g * _L
                rmask = s16 < _S
                for cc in range(_NUM_CLASSES % _L):
                    col16 = jnp.full((_L,), tail + cc, jnp.int32)
                    plsc.store_scatter(buf, [s16, col16], cold16, mask=rmask)

        def scat(buf, t, val16):
            for k in range(_SPAD // _L):
                col16 = idx_v[t, pl.ds(k * _L, _L)]
                s16 = iota16 + (k * _L)
                plsc.store_scatter(buf, [s16, col16], val16, mask=s16 < _S)

        npair = _BPW // 2

        @pl.loop(0, npair)
        def _(p):
            for j, buf, sem in ((0, buf_a, sem_a), (1, buf_b, sem_b)):
                t = p * 2 + j
                b = base + t

                @pl.when(p > 0)
                def _(buf=buf, sem=sem, t=t, b=b):
                    pltpu.make_async_copy(buf, o_hbm.at[b], sem).wait()
                    scat(buf, t - 2, cold16)

                scat(buf, t, hot16)
                pltpu.async_copy(buf, o_hbm.at[b], sem)

        pltpu.make_async_copy(buf_a, o_hbm.at[base], sem_a).wait()
        pltpu.make_async_copy(buf_b, o_hbm.at[base], sem_b).wait()

    return sc_onehot(xpad)

# --- scband reference (transcript-rebuilt; emitter-appended) ---
"""Pipeline reference for scband-one-hot-embedding-67190468379074 (READ-ONLY COPY).

The authoritative reference and input builder live on the scoring server;
editing this copy changes nothing except your own understanding.
"""

import jax, jax.numpy as jnp
import numpy as np

NUM_CLASSES = 1000
LABEL_SMOOTHING = 0.1
BATCH = 1024
SEQ = 50


def setup_inputs(seed: int = 0) -> dict:
    key = jax.random.key(seed)
    x_i = jax.random.randint(key, (BATCH, SEQ), 0, NUM_CLASSES, dtype=jnp.int32)
    return {"x_i": x_i}


def reference(x_i) -> jnp.ndarray:
    # F.one_hot(x_i, num_classes).float()
    one_hot_data = jax.nn.one_hot(x_i, NUM_CLASSES, dtype=jnp.float32)
    # label smoothing: s_i = one_hot * (1 - ls) + ls / (num_classes - 1)
    smooth_value = LABEL_SMOOTHING / (NUM_CLASSES - 1)
    s_i = one_hot_data * (1.0 - LABEL_SMOOTHING) + smooth_value
    return s_i

if __name__ == "__main__":
    import jax
    _d = setup_inputs()
    print(jax.jit(kernel)(*tuple(_d.values())))

</pallas_src>

<mosaic_0001>
#map = affine_map<(d0, d1) -> (0, 0)>
#map1 = affine_map<(d0, d1) -> (0, 0, 0)>
module attributes {stable_mosaic.version = 14 : i64} {
  func.func @sc_onehot(%arg0: i32, %arg1: i32, %arg2: memref<1024x64xi32, #tpu.memory_space<hbm>>, %arg3: memref<1024x50x1000xf32, #tpu.memory_space<hbm>>, %arg4: memref<32x64xi32, #tpu.memory_space<vmem>>, %arg5: memref<50x1000xf32, #tpu.memory_space<vmem>>, %arg6: memref<50x1000xf32, #tpu.memory_space<vmem>>, %arg7: memref<!tpu.dma_semaphore, #tpu.memory_space<semaphore_mem>>, %arg8: memref<!tpu.dma_semaphore, #tpu.memory_space<semaphore_mem>>, %arg9: memref<!tpu.dma_semaphore, #tpu.memory_space<semaphore_mem>>) attributes {dimension_semantics = [#tpu.dimension_semantics<core_parallel>, #tpu.dimension_semantics<subcore_parallel>], iteration_bounds = array<i64: 2, 16>, scalar_prefetch = 0 : i64, scratch_operands = 6 : i64, tpu.core_type = #tpu.core_type<sc_vector_subcore>, window_params = [{transform_indices = #map}, {transform_indices = #map1}]} {
    %mul3A = arith.constant 2 : i32
    %mul3A_0 = arith.muli %arg1, %mul3A : i32
    %add3A = arith.addi %mul3A_0, %arg0 : i32
    %mul3A_1 = arith.constant 32 : i32
    %mul3A_2 = arith.muli %add3A, %mul3A_1 : i32
    %dma_start3A = arith.constant 0 : i32
    %dma_start3A_3 = tpu.memref_slice %arg2[%mul3A_2, %dma_start3A] : memref<1024x64xi32, #tpu.memory_space<hbm>> -> memref<32x64xi32, #tpu.memory_space<hbm>>
    %dma_start3A_4 = arith.constant 0 : i32
    %dma_start3A_5 = tpu.memref_slice %arg2[%mul3A_2, %dma_start3A_4] : memref<1024x64xi32, #tpu.memory_space<hbm>> -> memref<32x64xi32, #tpu.memory_space<hbm>>
    tpu.enqueue_dma source(%dma_start3A_5 : memref<32x64xi32, #tpu.memory_space<hbm>>) target(%arg4 : memref<32x64xi32, #tpu.memory_space<vmem>>) target_semaphore(%arg7 : memref<!tpu.dma_semaphore, #tpu.memory_space<semaphore_mem>>)
    %dma_wait3A = arith.constant 0 : i32
    %dma_wait3A_6 = tpu.memref_slice %arg2[%mul3A_2, %dma_wait3A] : memref<1024x64xi32, #tpu.memory_space<hbm>> -> memref<32x64xi32, #tpu.memory_space<hbm>>
    %dma_wait3A_7 = arith.constant 0 : i32
    %dma_wait3A_8 = tpu.memref_slice %arg2[%mul3A_2, %dma_wait3A_7] : memref<1024x64xi32, #tpu.memory_space<hbm>> -> memref<32x64xi32, #tpu.memory_space<hbm>>
    tpu.wait_dma2 semaphore(%arg7 : memref<!tpu.dma_semaphore, #tpu.memory_space<semaphore_mem>>) src(%dma_wait3A_8 : memref<32x64xi32, #tpu.memory_space<hbm>>) dst(%arg4 : memref<32x64xi32, #tpu.memory_space<vmem>>)
    %broadcast_in_dim3A = arith.constant 1.001001E-4 : f32
    %broadcast_in_dim3A_9 = vector.broadcast %broadcast_in_dim3A : f32 to vector<16xf32>
    %broadcast_in_dim3A_10 = arith.constant 0.900100111 : f32
    %broadcast_in_dim3A_11 = vector.broadcast %broadcast_in_dim3A_10 : f32 to vector<16xf32>
    %iota3A = tpu.iota {dimensions = array<i32: 0>} : vector<16xi32>
    %scan3A = arith.constant 0 : i32
    %scan3A_12 = arith.constant 50 : i32
    %scan3A_13 = arith.addi %scan3A, %scan3A_12 : i32
    %scan3A_14 = arith.constant 1 : i32
    scf.for %scan3A_217 = %scan3A to %scan3A_13 step %scan3A_14  : i32 {
      %mul3A_218 = arith.constant 1 : i32
      %mul3A_219 = arith.muli %scan3A_217, %mul3A_218 : i32
      %add3A_220 = arith.constant 0 : i32
      %add3A_221 = arith.addi %add3A_220, %mul3A_219 : i32
      %multiple_of3A = arith.constant 0 : i32
      %multiple_of3A_222 = tpu.assume_multiple %multiple_of3A, 16 : i32
      %swap3A = arith.index_cast %add3A_221 : i32 to index
      %swap3A_223 = arith.index_cast %multiple_of3A_222 : i32 to index
      %swap3A_224 = tpu.vector_load %arg5[%swap3A, %swap3A_223] {strides = array<i32>} : memref<50x1000xf32, #tpu.memory_space<vmem>>, vector<16xf32>,
      tpu.vector_store %arg5[%swap3A, %swap3A_223], %broadcast_in_dim3A_9 {strides = array<i32>} : memref<50x1000xf32, #tpu.memory_space<vmem>>, vector<16xf32>,
      %multiple_of3A_225 = arith.constant 16 : i32
      %multiple_of3A_226 = tpu.assume_multiple %multiple_of3A_225, 16 : i32
      %swap3A_227 = arith.index_cast %add3A_221 : i32 to index
      %swap3A_228 = arith.index_cast %multiple_of3A_226 : i32 to index
      %swap3A_229 = tpu.vector_load %arg5[%swap3A_227, %swap3A_228] {strides = array<i32>} : memref<50x1000xf32, #tpu.memory_space<vmem>>, vector<16xf32>,
      tpu.vector_store %arg5[%swap3A_227, %swap3A_228], %broadcast_in_dim3A_9 {strides = array<i32>} : memref<50x1000xf32, #tpu.memory_space<vmem>>, vector<16xf32>,
      %multiple_of3A_230 = arith.constant 32 : i32
      %multiple_of3A_231 = tpu.assume_multiple %multiple_of3A_230, 16 : i32
      %swap3A_232 = arith.index_cast %add3A_221 : i32 to index
      %swap3A_233 = arith.index_cast %multiple_of3A_231 : i32 to index
      %swap3A_234 = tpu.vector_load %arg5[%swap3A_232, %swap3A_233] {strides = array<i32>} : memref<50x1000xf32, #tpu.memory_space<vmem>>, vector<16xf32>,
      tpu.vector_store %arg5[%swap3A_232, %swap3A_233], %broadcast_in_dim3A_9 {strides = array<i32>} : memref<50x1000xf32, #tpu.memory_space<vmem>>, vector<16xf32>,
      %multiple_of3A_235 = arith.constant 48 : i32
      %multiple_of3A_236 = tpu.assume_multiple %multiple_of3A_235, 16 : i32
      %swap3A_237 = arith.index_cast %add3A_221 : i32 to index
      %swap3A_238 = arith.index_cast %multiple_of3A_236 : i32 to index
      %swap3A_239 = tpu.vector_load %arg5[%swap3A_237, %swap3A_238] {strides = array<i32>} : memref<50x1000xf32, #tpu.memory_space<vmem>>, vector<16xf32>,
      tpu.vector_store %arg5[%swap3A_237, %swap3A_238], %broadcast_in_dim3A_9 {strides = array<i32>} : memref<50x1000xf32, #tpu.memory_space<vmem>>, vector<16xf32>,
      %multiple_of3A_240 = arith.constant 64 : i32
      %multiple_of3A_241 = tpu.assume_multiple %multiple_of3A_240, 16 : i32
      %swap3A_242 = arith.index_cast %add3A_221 : i32 to index
      %swap3A_243 = arith.index_cast %multiple_of3A_241 : i32 to index
      %swap3A_244 = tpu.vector_load %arg5[%swap3A_242, %swap3A_243] {strides = array<i32>} : memref<50x1000xf32, #tpu.memory_space<vmem>>, vector<16xf32>,
      tpu.vector_store %arg5[%swap3A_242, %swap3A_243], %broadcast_in_dim3A_9 {strides = array<i32>} : memref<50x1000xf32, #tpu.memory_space<vmem>>, vector<16xf32>,
      %multiple_of3A_245 = arith.constant 80 : i32
      %multiple_of3A_246 = tpu.assume_multiple %multiple_of3A_245, 16 : i32
      %swap3A_247 = arith.index_cast %add3A_221 : i32 to index
      %swap3A_248 = arith.index_cast %multiple_of3A_246 : i32 to index
      %swap3A_249 = tpu.vector_load %arg5[%swap3A_247, %swap3A_248] {strides = array<i32>} : memref<50x1000xf32, #tpu.memory_space<vmem>>, vector<16xf32>,
      tpu.vector_store %arg5[%swap3A_247, %swap3A_248], %broadcast_in_dim3A_9 {strides = array<i32>} : memref<50x1000xf32, #tpu.memory_space<vmem>>, vector<16xf32>,
      %multiple_of3A_250 = arith.constant 96 : i32
      %multiple_of3A_251 = tpu.assume_multiple %multiple_of3A_250, 16 : i32
      %swap3A_252 = arith.index_cast %add3A_221 : i32 to index
      %swap3A_253 = arith.index_cast %multiple_of3A_251 : i32 to index
      %swap3A_254 = tpu.vector_load %arg5[%swap3A_252, %swap3A_253] {strides = array<i32>} : memref<50x1000xf32, #tpu.memory_space<vmem>>, vector<16xf32>,
      tpu.vector_store %arg5[%swap3A_252, %swap3A_253], %broadcast_in_dim3A_9 {strides = array<i32>} : memref<50x1000xf32, #tpu.memory_space<vmem>>, vector<16xf32>,
      %multiple_of3A_255 = arith.constant 112 : i32
      %multiple_of3A_256 = tpu.assume_multiple %multiple_of3A_255, 16 : i32
      %swap3A_257 = arith.index_cast %add3A_221 : i32 to index
      %swap3A_258 = arith.index_cast %multiple_of3A_256 : i32 to index
      %swap3A_259 = tpu.vector_load %arg5[%swap3A_257, %swap3A_258] {strides = array<i32>} : memref<50x1000xf32, #tpu.memory_space<vmem>>, vector<16xf32>,
      tpu.vector_store %arg5[%swap3A_257, %swap3A_258], %broadcast_in_dim3A_9 {strides = array<i32>} : memref<50x1000xf32, #tpu.memory_space<vmem>>, vector<16xf32>,
      %multiple_of3A_260 = arith.constant 128 : i32
      %multiple_of3A_261 = tpu.assume_multiple %multiple_of3A_260, 16 : i32
      %swap3A_262 = arith.index_cast %add3A_221 : i32 to index
      %swap3A_263 = arith.index_cast %multiple_of3A_261 : i32 to index
      %swap3A_264 = tpu.vector_load %arg5[%swap3A_262, %swap3A_263] {strides = array<i32>} : memref<50x1000xf32, #tpu.memory_space<vmem>>, vector<16xf32>,
      tpu.vector_store %arg5[%swap3A_262, %swap3A_263], %broadcast_in_dim3A_9 {strides = array<i32>} : memref<50x1000xf32, #tpu.memory_space<vmem>>, vector<16xf32>,
      %multiple_of3A_265 = arith.constant 144 : i32
      %multiple_of3A_266 = tpu.assume_multiple %multiple_of3A_265, 16 : i32
      %swap3A_267 = arith.index_cast %add3A_221 : i32 to index
      %swap3A_268 = arith.index_cast %multiple_of3A_266 : i32 to index
      %swap3A_269 = tpu.vector_load %arg5[%swap3A_267, %swap3A_268] {strides = array<i32>} : memref<50x1000xf32, #tpu.memory_space<vmem>>, vector<16xf32>,
      tpu.vector_store %arg5[%swap3A_267, %swap3A_268], %broadcast_in_dim3A_9 {strides = array<i32>} : memref<50x1000xf32, #tpu.memory_space<vmem>>, vector<16xf32>,
      %multiple_of3A_270 = arith.constant 160 : i32
      %multiple_of3A_271 = tpu.assume_multiple %multiple_of3A_270, 16 : i32
      %swap3A_272 = arith.index_cast %add3A_221 : i32 to index
      %swap3A_273 = arith.index_cast %multiple_of3A_271 : i32 to index
      %swap3A_274 = tpu.vector_load %arg5[%swap3A_272, %swap3A_273] {strides = array<i32>} : memref<50x1000xf32, #tpu.memory_space<vmem>>, vector<16xf32>,
      tpu.vector_store %arg5[%swap3A_272, %swap3A_273], %broadcast_in_dim3A_9 {strides = array<i32>} : memref<50x1000xf32, #tpu.memory_space<vmem>>, vector<16xf32>,
      %multiple_of3A_275 = arith.constant 176 : i32
      %multiple_of3A_276 = tpu.assume_multiple %multiple_of3A_275, 16 : i32
      %swap3A_277 = arith.index_cast %add3A_221 : i32 to index
      %swap3A_278 = arith.index_cast %multiple_of3A_276 : i32 to index
      %swap3A_279 = tpu.vector_load %arg5[%swap3A_277, %swap3A_278] {strides = array<i32>} : memref<50x1000xf32, #tpu.memory_space<vmem>>, vector<16xf32>,
      tpu.vector_store %arg5[%swap3A_277, %swap3A_278], %broadcast_in_dim3A_9 {strides = array<i32>} : memref<50x1000xf32, #tpu.memory_space<vmem>>, vector<16xf32>,
      %multiple_of3A_280 = arith.constant 192 : i32
      %multiple_of3A_281 = tpu.assume_multiple %multiple_of3A_280, 16 : i32
      %swap3A_282 = arith.index_cast %add3A_221 : i32 to index
      %swap3A_283 = arith.index_cast %multiple_of3A_281 : i32 to index
      %swap3A_284 = tpu.vector_load %arg5[%swap3A_282, %swap3A_283] {strides = array<i32>} : memref<50x1000xf32, #tpu.memory_space<vmem>>, vector<16xf32>,
      tpu.vector_store %arg5[%swap3A_282, %swap3A_283], %broadcast_in_dim3A_9 {strides = array<i32>} : memref<50x1000xf32, #tpu.memory_space<vmem>>, vector<16xf32>,
      %multiple_of3A_285 = arith.constant 208 : i32
      %multiple_of3A_286 = tpu.assume_multiple %multiple_of3A_285, 16 : i32
      %swap3A_287 = arith.index_cast %add3A_221 : i32 to index
      %swap3A_288 = arith.index_cast %multiple_of3A_286 : i32 to index
      %swap3A_289 = tpu.vector_load %arg5[%swap3A_287, %swap3A_288] {strides = array<i32>} : memref<50x1000xf32, #tpu.memory_space<vmem>>, vector<16xf32>,
      tpu.vector_store %arg5[%swap3A_287, %swap3A_288], %broadcast_in_dim3A_9 {strides = array<i32>} : memref<50x1000xf32, #tpu.memory_space<vmem>>, vector<16xf32>,
      %multiple_of3A_290 = arith.constant 224 : i32
      %multiple_of3A_291 = tpu.assume_multiple %multiple_of3A_290, 16 : i32
      %swap3A_292 = arith.index_cast %add3A_221 : i32 to index
      %swap3A_293 = arith.index_cast %multiple_of3A_291 : i32 to index
      %swap3A_294 = tpu.vector_load %arg5[%swap3A_292, %swap3A_293] {strides = array<i32>} : memref<50x1000xf32, #tpu.memory_space<vmem>>, vector<16xf32>,
      tpu.vector_store %arg5[%swap3A_292, %swap3A_293], %broadcast_in_dim3A_9 {strides = array<i32>} : memref<50x1000xf32, #tpu.memory_space<vmem>>, vector<16xf32>,
      %multiple_of3A_295 = arith.constant 240 : i32
      %multiple_of3A_296 = tpu.assume_multiple %multiple_of3A_295, 16 : i32
      %swap3A_297 = arith.index_cast %add3A_221 : i32 to index
      %swap3A_298 = arith.index_cast %multiple_of3A_296 : i32 to index
      %swap3A_299 = tpu.vector_load %arg5[%swap3A_297, %swap3A_298] {strides = array<i32>} : memref<50x1000xf32, #tpu.memory_space<vmem>>, vector<16xf32>,
      tpu.vector_store %arg5[%swap3A_297, %swap3A_298], %broadcast_in_dim3A_9 {strides = array<i32>} : memref<50x1000xf32, #tpu.memory_space<vmem>>, vector<16xf32>,
      %multiple_of3A_300 = arith.constant 256 : i32
      %multiple_of3A_301 = tpu.assume_multiple %multiple_of3A_300, 16 : i32
      %swap3A_302 = arith.index_cast %add3A_221 : i32 to index
      %swap3A_303 = arith.index_cast %multiple_of3A_301 : i32 to index
      %swap3A_304 = tpu.vector_load %arg5[%swap3A_302, %swap3A_303] {strides = array<i32>} : memref<50x1000xf32, #tpu.memory_space<vmem>>, vector<16xf32>,
      tpu.vector_store %arg5[%swap3A_302, %swap3A_303], %broadcast_in_dim3A_9 {strides = array<i32>} : memref<50x1000xf32, #tpu.memory_space<vmem>>, vector<16xf32>,
      %multiple_of3A_305 = arith.constant 272 : i32
      %multiple_of3A_306 = tpu.assume_multiple %multiple_of3A_305, 16 : i32
      %swap3A_307 = arith.index_cast %add3A_221 : i32 to index
      %swap3A_308 = arith.index_cast %multiple_of3A_306 : i32 to index
      %swap3A_309 = tpu.vector_load %arg5[%swap3A_307, %swap3A_308] {strides = array<i32>} : memref<50x1000xf32, #tpu.memory_space<vmem>>, vector<16xf32>,
      tpu.vector_store %arg5[%swap3A_307, %swap3A_308], %broadcast_in_dim3A_9 {strides = array<i32>} : memref<50x1000xf32, #tpu.memory_space<vmem>>, vector<16xf32>,
      %multiple_of3A_310 = arith.constant 288 : i32
      %multiple_of3A_311 = tpu.assume_multiple %multiple_of3A_310, 16 : i32
      %swap3A_312 = arith.index_cast %add3A_221 : i32 to index
      %swap3A_313 = arith.index_cast %multiple_of3A_311 : i32 to index
      %swap3A_314 = tpu.vector_load %arg5[%swap3A_312, %swap3A_313] {strides = array<i32>} : memref<50x1000xf32, #tpu.memory_space<vmem>>, vector<16xf32>,
      tpu.vector_store %arg5[%swap3A_312, %swap3A_313], %broadcast_in_dim3A_9 {strides = array<i32>} : memref<50x1000xf32, #tpu.memory_space<vmem>>, vector<16xf32>,
      %multiple_of3A_315 = arith.constant 304 : i32
      %multiple_of3A_316 = tpu.assume_multiple %multiple_of3A_315, 16 : i32
      %swap3A_317 = arith.index_cast %add3A_221 : i32 to index
      %swap3A_318 = arith.index_cast %multiple_of3A_316 : i32 to index
      %swap3A_319 = tpu.vector_load %arg5[%swap3A_317, %swap3A_318] {strides = array<i32>} : memref<50x1000xf32, #tpu.memory_space<vmem>>, vector<16xf32>,
      tpu.vector_store %arg5[%swap3A_317, %swap3A_318], %broadcast_in_dim3A_9 {strides = array<i32>} : memref<50x1000xf32, #tpu.memory_space<vmem>>, vector<16xf32>,
      %multiple_of3A_320 = arith.constant 320 : i32
      %multiple_of3A_321 = tpu.assume_multiple %multiple_of3A_320, 16 : i32
      %swap3A_322 = arith.index_cast %add3A_221 : i32 to index
      %swap3A_323 = arith.index_cast %multiple_of3A_321 : i32 to index
      %swap3A_324 = tpu.vector_load %arg5[%swap3A_322, %swap3A_323] {strides = array<i32>} : memref<50x1000xf32, #tpu.memory_space<vmem>>, vector<16xf32>,
      tpu.vector_store %arg5[%swap3A_322, %swap3A_323], %broadcast_in_dim3A_9 {strides = array<i32>} : memref<50x1000xf32, #tpu.memory_space<vmem>>, vector<16xf32>,
      %multiple_of3A_325 = arith.constant 336 : i32
      %multiple_of3A_326 = tpu.assume_multiple %multiple_of3A_325, 16 : i32
      %swap3A_327 = arith.index_cast %add3A_221 : i32 to index
      %swap3A_328 = arith.index_cast %multiple_of3A_326 : i32 to index
      %swap3A_329 = tpu.vector_load %arg5[%swap3A_327, %swap3A_328] {strides = array<i32>} : memref<50x1000xf32, #tpu.memory_space<vmem>>, vector<16xf32>,
      tpu.vector_store %arg5[%swap3A_327, %swap3A_328], %broadcast_in_dim3A_9 {strides = array<i32>} : memref<50x1000xf32, #tpu.memory_space<vmem>>, vector<16xf32>,
      %multiple_of3A_330 = arith.constant 352 : i32
      %multiple_of3A_331 = tpu.assume_multiple %multiple_of3A_330, 16 : i32
      %swap3A_332 = arith.index_cast %add3A_221 : i32 to index
      %swap3A_333 = arith.index_cast %multiple_of3A_331 : i32 to index
      %swap3A_334 = tpu.vector_load %arg5[%swap3A_332, %swap3A_333] {strides = array<i32>} : memref<50x1000xf32, #tpu.memory_space<vmem>>, vector<16xf32>,
      tpu.vector_store %arg5[%swap3A_332, %swap3A_333], %broadcast_in_dim3A_9 {strides = array<i32>} : memref<50x1000xf32, #tpu.memory_space<vmem>>, vector<16xf32>,
      %multiple_of3A_335 = arith.constant 368 : i32
      %multiple_of3A_336 = tpu.assume_multiple %multiple_of3A_335, 16 : i32
      %swap3A_337 = arith.index_cast %add3A_221 : i32 to index
      %swap3A_338 = arith.index_cast %multiple_of3A_336 : i32 to index
      %swap3A_339 = tpu.vector_load %arg5[%swap3A_337, %swap3A_338] {strides = array<i32>} : memref<50x1000xf32, #tpu.memory_space<vmem>>, vector<16xf32>,
      tpu.vector_store %arg5[%swap3A_337, %swap3A_338], %broadcast_in_dim3A_9 {strides = array<i32>} : memref<50x1000xf32, #tpu.memory_space<vmem>>, vector<16xf32>,
      %multiple_of3A_340 = arith.constant 384 : i32
      %multiple_of3A_341 = tpu.assume_multiple %multiple_of3A_340, 16 : i32
      %swap3A_342 = arith.index_cast %add3A_221 : i32 to index
      %swap3A_343 = arith.index_cast %multiple_of3A_341 : i32 to index
      %swap3A_344 = tpu.vector_load %arg5[%swap3A_342, %swap3A_343] {strides = array<i32>} : memref<50x1000xf32, #tpu.memory_space<vmem>>, vector<16xf32>,
      tpu.vector_store %arg5[%swap3A_342, %swap3A_343], %broadcast_in_dim3A_9 {strides = array<i32>} : memref<50x1000xf32, #tpu.memory_space<vmem>>, vector<16xf32>,
      %multiple_of3A_345 = arith.constant 400 : i32
      %multiple_of3A_346 = tpu.assume_multiple %multiple_of3A_345, 16 : i32
      %swap3A_347 = arith.index_cast %add3A_221 : i32 to index
      %swap3A_348 = arith.index_cast %multiple_of3A_346 : i32 to index
      %swap3A_349 = tpu.vector_load %arg5[%swap3A_347, %swap3A_348] {strides = array<i32>} : memref<50x1000xf32, #tpu.memory_space<vmem>>, vector<16xf32>,
      tpu.vector_store %arg5[%swap3A_347, %swap3A_348], %broadcast_in_dim3A_9 {strides = array<i32>} : memref<50x1000xf32, #tpu.memory_space<vmem>>, vector<16xf32>,
      %multiple_of3A_350 = arith.constant 416 : i32
      %multiple_of3A_351 = tpu.assume_multiple %multiple_of3A_350, 16 : i32
      %swap3A_352 = arith.index_cast %add3A_221 : i32 to index
      %swap3A_353 = arith.index_cast %multiple_of3A_351 : i32 to index
      %swap3A_354 = tpu.vector_load %arg5[%swap3A_352, %swap3A_353] {strides = array<i32>} : memref<50x1000xf32, #tpu.memory_space<vmem>>, vector<16xf32>,
      tpu.vector_store %arg5[%swap3A_352, %swap3A_353], %broadcast_in_dim3A_9 {strides = array<i32>} : memref<50x1000xf32, #tpu.memory_space<vmem>>, vector<16xf32>,
      %multiple_of3A_355 = arith.constant 432 : i32
      %multiple_of3A_356 = tpu.assume_multiple %multiple_of3A_355, 16 : i32
      %swap3A_357 = arith.index_cast %add3A_221 : i32 to index
      %swap3A_358 = arith.index_cast %multiple_of3A_356 : i32 to index
      %swap3A_359 = tpu.vector_load %arg5[%swap3A_357, %swap3A_358] {strides = array<i32>} : memref<50x1000xf32, #tpu.memory_space<vmem>>, vector<16xf32>,
      tpu.vector_store %arg5[%swap3A_357, %swap3A_358], %broadcast_in_dim3A_9 {strides = array<i32>} : memref<50x1000xf32, #tpu.memory_space<vmem>>, vector<16xf32>,
      %multiple_of3A_360 = arith.constant 448 : i32
      %multiple_of3A_361 = tpu.assume_multiple %multiple_of3A_360, 16 : i32
      %swap3A_362 = arith.index_cast %add3A_221 : i32 to index
      %swap3A_363 = arith.index_cast %multiple_of3A_361 : i32 to index
      %swap3A_364 = tpu.vector_load %arg5[%swap3A_362, %swap3A_363] {strides = array<i32>} : memref<50x1000xf32, #tpu.memory_space<vmem>>, vector<16xf32>,
      tpu.vector_store %arg5[%swap3A_362, %swap3A_363], %broadcast_in_dim3A_9 {strides = array<i32>} : memref<50x1000xf32, #tpu.memory_space<vmem>>, vector<16xf32>,
      %multiple_of3A_365 = arith.constant 464 : i32
      %multiple_of3A_366 = tpu.assume_multiple %multiple_of3A_365, 16 : i32
      %swap3A_367 = arith.index_cast %add3A_221 : i32 to index
      %swap3A_368 = arith.index_cast %multiple_of3A_366 : i32 to index
      %swap3A_369 = tpu.vector_load %arg5[%swap3A_367, %swap3A_368] {strides = array<i32>} : memref<50x1000xf32, #tpu.memory_space<vmem>>, vector<16xf32>,
      tpu.vector_store %arg5[%swap3A_367, %swap3A_368], %broadcast_in_dim3A_9 {strides = array<i32>} : memref<50x1000xf32, #tpu.memory_space<vmem>>, vector<16xf32>,
      %multiple_of3A_370 = arith.constant 480 : i32
      %multiple_of3A_371 = tpu.assume_multiple %multiple_of3A_370, 16 : i32
      %swap3A_372 = arith.index_cast %add3A_221 : i32 to index
      %swap3A_373 = arith.index_cast %multiple_of3A_371 : i32 to index
      %swap3A_374 = tpu.vector_load %arg5[%swap3A_372, %swap3A_373] {strides = array<i32>} : memref<50x1000xf32, #tpu.memory_space<vmem>>, vector<16xf32>,
      tpu.vector_store %arg5[%swap3A_372, %swap3A_373], %broadcast_in_dim3A_9 {strides = array<i32>} : memref<50x1000xf32, #tpu.memory_space<vmem>>, vector<16xf32>,
      %multiple_of3A_375 = arith.constant 496 : i32
      %multiple_of3A_376 = tpu.assume_multiple %multiple_of3A_375, 16 : i32
      %swap3A_377 = arith.index_cast %add3A_221 : i32 to index
      %swap3A_378 = arith.index_cast %multiple_of3A_376 : i32 to index
      %swap3A_379 = tpu.vector_load %arg5[%swap3A_377, %swap3A_378] {strides = array<i32>} : memref<50x1000xf32, #tpu.memory_space<vmem>>, vector<16xf32>,
      tpu.vector_store %arg5[%swap3A_377, %swap3A_378], %broadcast_in_dim3A_9 {strides = array<i32>} : memref<50x1000xf32, #tpu.memory_space<vmem>>, vector<16xf32>,
      %multiple_of3A_380 = arith.constant 512 : i32
      %multiple_of3A_381 = tpu.assume_multiple %multiple_of3A_380, 16 : i32
      %swap3A_382 = arith.index_cast %add3A_221 : i32 to index
      %swap3A_383 = arith.index_cast %multiple_of3A_381 : i32 to index
      %swap3A_384 = tpu.vector_load %arg5[%swap3A_382, %swap3A_383] {strides = array<i32>} : memref<50x1000xf32, #tpu.memory_space<vmem>>, vector<16xf32>,
      tpu.vector_store %arg5[%swap3A_382, %swap3A_383], %broadcast_in_dim3A_9 {strides = array<i32>} : memref<50x1000xf32, #tpu.memory_space<vmem>>, vector<16xf32>,
      %multiple_of3A_385 = arith.constant 528 : i32
      %multiple_of3A_386 = tpu.assume_multiple %multiple_of3A_385, 16 : i32
      %swap3A_387 = arith.index_cast %add3A_221 : i32 to index
      %swap3A_388 = arith.index_cast %multiple_of3A_386 : i32 to index
      %swap3A_389 = tpu.vector_load %arg5[%swap3A_387, %swap3A_388] {strides = array<i32>} : memref<50x1000xf32, #tpu.memory_space<vmem>>, vector<16xf32>,
      tpu.vector_store %arg5[%swap3A_387, %swap3A_388], %broadcast_in_dim3A_9 {strides = array<i32>} : memref<50x1000xf32, #tpu.memory_space<vmem>>, vector<16xf32>,
      %multiple_of3A_390 = arith.constant 544 : i32
      %multiple_of3A_391 = tpu.assume_multiple %multiple_of3A_390, 16 : i32
      %swap3A_392 = arith.index_cast %add3A_221 : i32 to index
      %swap3A_393 = arith.index_cast %multiple_of3A_391 : i32 to index
      %swap3A_394 = tpu.vector_load %arg5[%swap3A_392, %swap3A_393] {strides = array<i32>} : memref<50x1000xf32, #tpu.memory_space<vmem>>, vector<16xf32>,
      tpu.vector_store %arg5[%swap3A_392, %swap3A_393], %broadcast_in_dim3A_9 {strides = array<i32>} : memref<50x1000xf32, #tpu.memory_space<vmem>>, vector<16xf32>,
      %multiple_of3A_395 = arith.constant 560 : i32
      %multiple_of3A_396 = tpu.assume_multiple %multiple_of3A_395, 16 : i32
      %swap3A_397 = arith.index_cast %add3A_221 : i32 to index
      %swap3A_398 = arith.index_cast %multiple_of3A_396 : i32 to index
      %swap3A_399 = tpu.vector_load %arg5[%swap3A_397, %swap3A_398] {strides = array<i32>} : memref<50x1000xf32, #tpu.memory_space<vmem>>, vector<16xf32>,
      tpu.vector_store %arg5[%swap3A_397, %swap3A_398], %broadcast_in_dim3A_9 {strides = array<i32>} : memref<50x1000xf32, #tpu.memory_space<vmem>>, vector<16xf32>,
      %multiple_of3A_400 = arith.constant 576 : i32
      %multiple_of3A_401 = tpu.assume_multiple %multiple_of3A_400, 16 : i32
      %swap3A_402 = arith.index_cast %add3A_221 : i32 to index
      %swap3A_403 = arith.index_cast %multiple_of3A_401 : i32 to index
      %swap3A_404 = tpu.vector_load %arg5[%swap3A_402, %swap3A_403] {strides = array<i32>} : memref<50x1000xf32, #tpu.memory_space<vmem>>, vector<16xf32>,
      tpu.vector_store %arg5[%swap3A_402, %swap3A_403], %broadcast_in_dim3A_9 {strides = array<i32>} : memref<50x1000xf32, #tpu.memory_space<vmem>>, vector<16xf32>,
      %multiple_of3A_405 = arith.constant 592 : i32
      %multiple_of3A_406 = tpu.assume_multiple %multiple_of3A_405, 16 : i32
      %swap3A_407 = arith.index_cast %add3A_221 : i32 to index
      %swap3A_408 = arith.index_cast %multiple_of3A_406 : i32 to index
      %swap3A_409 = tpu.vector_load %arg5[%swap3A_407, %swap3A_408] {strides = array<i32>} : memref<50x1000xf32, #tpu.memory_space<vmem>>, vector<16xf32>,
      tpu.vector_store %arg5[%swap3A_407, %swap3A_408], %broadcast_in_dim3A_9 {strides = array<i32>} : memref<50x1000xf32, #tpu.memory_space<vmem>>, vector<16xf32>,
      %multiple_of3A_410 = arith.constant 608 : i32
      %multiple_of3A_411 = tpu.assume_multiple %multiple_of3A_410, 16 : i32
      %swap3A_412 = arith.index_cast %add3A_221 : i32 to index
      %swap3A_413 = arith.index_cast %multiple_of3A_411 : i32 to index
      %swap3A_414 = tpu.vector_load %arg5[%swap3A_412, %swap3A_413] {strides = array<i32>} : memref<50x1000xf32, #tpu.memory_space<vmem>>, vector<16xf32>,
      tpu.vector_store %arg5[%swap3A_412, %swap3A_413], %broadcast_in_dim3A_9 {strides = array<i32>} : memref<50x1000xf32, #tpu.memory_space<vmem>>, vector<16xf32>,
      %multiple_of3A_415 = arith.constant 624 : i32
      %multiple_of3A_416 = tpu.assume_multiple %multiple_of3A_415, 16 : i32
      %swap3A_417 = arith.index_cast %add3A_221 : i32 to index
      %swap3A_418 = arith.index_cast %multiple_of3A_416 : i32 to index
      %swap3A_419 = tpu.vector_load %arg5[%swap3A_417, %swap3A_418] {strides = array<i32>} : memref<50x1000xf32, #tpu.memory_space<vmem>>, vector<16xf32>,
      tpu.vector_store %arg5[%swap3A_417, %swap3A_418], %broadcast_in_dim3A_9 {strides = array<i32>} : memref<50x1000xf32, #tpu.memory_space<vmem>>, vector<16xf32>,
      %multiple_of3A_420 = arith.constant 640 : i32
      %multiple_of3A_421 = tpu.assume_multiple %multiple_of3A_420, 16 : i32
      %swap3A_422 = arith.index_cast %add3A_221 : i32 to index
      %swap3A_423 = arith.index_cast %multiple_of3A_421 : i32 to index
      %swap3A_424 = tpu.vector_load %arg5[%swap3A_422, %swap3A_423] {strides = array<i32>} : memref<50x1000xf32, #tpu.memory_space<vmem>>, vector<16xf32>,
      tpu.vector_store %arg5[%swap3A_422, %swap3A_423], %broadcast_in_dim3A_9 {strides = array<i32>} : memref<50x1000xf32, #tpu.memory_space<vmem>>, vector<16xf32>,
      %multiple_of3A_425 = arith.constant 656 : i32
      %multiple_of3A_426 = tpu.assume_multiple %multiple_of3A_425, 16 : i32
      %swap3A_427 = arith.index_cast %add3A_221 : i32 to index
      %swap3A_428 = arith.index_cast %multiple_of3A_426 : i32 to index
      %swap3A_429 = tpu.vector_load %arg5[%swap3A_427, %swap3A_428] {strides = array<i32>} : memref<50x1000xf32, #tpu.memory_space<vmem>>, vector<16xf32>,
      tpu.vector_store %arg5[%swap3A_427, %swap3A_428], %broadcast_in_dim3A_9 {strides = array<i32>} : memref<50x1000xf32, #tpu.memory_space<vmem>>, vector<16xf32>,
      %multiple_of3A_430 = arith.constant 672 : i32
      %multiple_of3A_431 = tpu.assume_multiple %multiple_of3A_430, 16 : i32
      %swap3A_432 = arith.index_cast %add3A_221 : i32 to index
      %swap3A_433 = arith.index_cast %multiple_of3A_431 : i32 to index
      %swap3A_434 = tpu.vector_load %arg5[%swap3A_432, %swap3A_433] {strides = array<i32>} : memref<50x1000xf32, #tpu.memory_space<vmem>>, vector<16xf32>,
      tpu.vector_store %arg5[%swap3A_432, %swap3A_433], %broadcast_in_dim3A_9 {strides = array<i32>} : memref<50x1000xf32, #tpu.memory_space<vmem>>, vector<16xf32>,
      %multiple_of3A_435 = arith.constant 688 : i32
      %multiple_of3A_436 = tpu.assume_multiple %multiple_of3A_435, 16 : i32
      %swap3A_437 = arith.index_cast %add3A_221 : i32 to index
      %swap3A_438 = arith.index_cast %multiple_of3A_436 : i32 to index
      %swap3A_439 = tpu.vector_load %arg5[%swap3A_437, %swap3A_438] {strides = array<i32>} : memref<50x1000xf32, #tpu.memory_space<vmem>>, vector<16xf32>,
      tpu.vector_store %arg5[%swap3A_437, %swap3A_438], %broadcast_in_dim3A_9 {strides = array<i32>} : memref<50x1000xf32, #tpu.memory_space<vmem>>, vector<16xf32>,
      %multiple_of3A_440 = arith.constant 704 : i32
      %multiple_of3A_441 = tpu.assume_multiple %multiple_of3A_440, 16 : i32
      %swap3A_442 = arith.index_cast %add3A_221 : i32 to index
      %swap3A_443 = arith.index_cast %multiple_of3A_441 : i32 to index
      %swap3A_444 = tpu.vector_load %arg5[%swap3A_442, %swap3A_443] {strides = array<i32>} : memref<50x1000xf32, #tpu.memory_space<vmem>>, vector<16xf32>,
      tpu.vector_store %arg5[%swap3A_442, %swap3A_443], %broadcast_in_dim3A_9 {strides = array<i32>} : memref<50x1000xf32, #tpu.memory_space<vmem>>, vector<16xf32>,
      %multiple_of3A_445 = arith.constant 720 : i32
      %multiple_of3A_446 = tpu.assume_multiple %multiple_of3A_445, 16 : i32
      %swap3A_447 = arith.index_cast %add3A_221 : i32 to index
      %swap3A_448 = arith.index_cast %multiple_of3A_446 : i32 to index
      %swap3A_449 = tpu.vector_load %arg5[%swap3A_447, %swap3A_448] {strides = array<i32>} : memref<50x1000xf32, #tpu.memory_space<vmem>>, vector<16xf32>,
      tpu.vector_store %arg5[%swap3A_447, %swap3A_448], %broadcast_in_dim3A_9 {strides = array<i32>} : memref<50x1000xf32, #tpu.memory_space<vmem>>, vector<16xf32>,
      %multiple_of3A_450 = arith.constant 736 : i32
      %multiple_of3A_451 = tpu.assume_multiple %multiple_of3A_450, 16 : i32
      %swap3A_452 = arith.index_cast %add3A_221 : i32 to index
      %swap3A_453 = arith.index_cast %multiple_of3A_451 : i32 to index
      %swap3A_454 = tpu.vector_load %arg5[%swap3A_452, %swap3A_453] {strides = array<i32>} : memref<50x1000xf32, #tpu.memory_space<vmem>>, vector<16xf32>,
      tpu.vector_store %arg5[%swap3A_452, %swap3A_453], %broadcast_in_dim3A_9 {strides = array<i32>} : memref<50x1000xf32, #tpu.memory_space<vmem>>, vector<16xf32>,
      %multiple_of3A_455 = arith.constant 752 : i32
      %multiple_of3A_456 = tpu.assume_multiple %multiple_of3A_455, 16 : i32
      %swap3A_457 = arith.index_cast %add3A_221 : i32 to index
      %swap3A_458 = arith.index_cast %multiple_of3A_456 : i32 to index
      %swap3A_459 = tpu.vector_load %arg5[%swap3A_457, %swap3A_458] {strides = array<i32>} : memref<50x1000xf32, #tpu.memory_space<vmem>>, vector<16xf32>,
      tpu.vector_store %arg5[%swap3A_457, %swap3A_458], %broadcast_in_dim3A_9 {strides = array<i32>} : memref<50x1000xf32, #tpu.memory_space<vmem>>, vector<16xf32>,
      %multiple_of3A_460 = arith.constant 768 : i32
      %multiple_of3A_461 = tpu.assume_multiple %multiple_of3A_460, 16 : i32
      %swap3A_462 = arith.index_cast %add3A_221 : i32 to index
      %swap3A_463 = arith.index_cast %multiple_of3A_461 : i32 to index
      %swap3A_464 = tpu.vector_load %arg5[%swap3A_462, %swap3A_463] {strides = array<i32>} : memref<50x1000xf32, #tpu.memory_space<vmem>>, vector<16xf32>,
      tpu.vector_store %arg5[%swap3A_462, %swap3A_463], %broadcast_in_dim3A_9 {strides = array<i32>} : memref<50x1000xf32, #tpu.memory_space<vmem>>, vector<16xf32>,
      %multiple_of3A_465 = arith.constant 784 : i32
      %multiple_of3A_466 = tpu.assume_multiple %multiple_of3A_465, 16 : i32
      %swap3A_467 = arith.index_cast %add3A_221 : i32 to index
      %swap3A_468 = arith.index_cast %multiple_of3A_466 : i32 to index
      %swap3A_469 = tpu.vector_load %arg5[%swap3A_467, %swap3A_468] {strides = array<i32>} : memref<50x1000xf32, #tpu.memory_space<vmem>>, vector<16xf32>,
      tpu.vector_store %arg5[%swap3A_467, %swap3A_468], %broadcast_in_dim3A_9 {strides = array<i32>} : memref<50x1000xf32, #tpu.memory_space<vmem>>, vector<16xf32>,
      %multiple_of3A_470 = arith.constant 800 : i32
      %multiple_of3A_471 = tpu.assume_multiple %multiple_of3A_470, 16 : i32
      %swap3A_472 = arith.index_cast %add3A_221 : i32 to index
      %swap3A_473 = arith.index_cast %multiple_of3A_471 : i32 to index
      %swap3A_474 = tpu.vector_load %arg5[%swap3A_472, %swap3A_473] {strides = array<i32>} : memref<50x1000xf32, #tpu.memory_space<vmem>>, vector<16xf32>,
      tpu.vector_store %arg5[%swap3A_472, %swap3A_473], %broadcast_in_dim3A_9 {strides = array<i32>} : memref<50x1000xf32, #tpu.memory_space<vmem>>, vector<16xf32>,
      %multiple_of3A_475 = arith.constant 816 : i32
      %multiple_of3A_476 = tpu.assume_multiple %multiple_of3A_475, 16 : i32
      %swap3A_477 = arith.index_cast %add3A_221 : i32 to index
      %swap3A_478 = arith.index_cast %multiple_of3A_476 : i32 to index
      %swap3A_479 = tpu.vector_load %arg5[%swap3A_477, %swap3A_478] {strides = array<i32>} : memref<50x1000xf32, #tpu.memory_space<vmem>>, vector<16xf32>,
      tpu.vector_store %arg5[%swap3A_477, %swap3A_478], %broadcast_in_dim3A_9 {strides = array<i32>} : memref<50x1000xf32, #tpu.memory_space<vmem>>, vector<16xf32>,
      %multiple_of3A_480 = arith.constant 832 : i32
      %multiple_of3A_481 = tpu.assume_multiple %multiple_of3A_480, 16 : i32
      %swap3A_482 = arith.index_cast %add3A_221 : i32 to index
      %swap3A_483 = arith.index_cast %multiple_of3A_481 : i32 to index
      %swap3A_484 = tpu.vector_load %arg5[%swap3A_482, %swap3A_483] {strides = array<i32>} : memref<50x1000xf32, #tpu.memory_space<vmem>>, vector<16xf32>,
      tpu.vector_store %arg5[%swap3A_482, %swap3A_483], %broadcast_in_dim3A_9 {strides = array<i32>} : memref<50x1000xf32, #tpu.memory_space<vmem>>, vector<16xf32>,
      %multiple_of3A_485 = arith.constant 848 : i32
      %multiple_of3A_486 = tpu.assume_multiple %multiple_of3A_485, 16 : i32
      %swap3A_487 = arith.index_cast %add3A_221 : i32 to index
      %swap3A_488 = arith.index_cast %multiple_of3A_486 : i32 to index
      %swap3A_489 = tpu.vector_load %arg5[%swap3A_487, %swap3A_488] {strides = array<i32>} : memref<50x1000xf32, #tpu.memory_space<vmem>>, vector<16xf32>,
      tpu.vector_store %arg5[%swap3A_487, %swap3A_488], %broadcast_in_dim3A_9 {strides = array<i32>} : memref<50x1000xf32, #tpu.memory_space<vmem>>, vector<16xf32>,
      %multiple_of3A_490 = arith.constant 864 : i32
      %multiple_of3A_491 = tpu.assume_multiple %multiple_of3A_490, 16 : i32
      %swap3A_492 = arith.index_cast %add3A_221 : i32 to index
      %swap3A_493 = arith.index_cast %multiple_of3A_491 : i32 to index
      %swap3A_494 = tpu.vector_load %arg5[%swap3A_492, %swap3A_493] {strides = array<i32>} : memref<50x1000xf32, #tpu.memory_space<vmem>>, vector<16xf32>,
      tpu.vector_store %arg5[%swap3A_492, %swap3A_493], %broadcast_in_dim3A_9 {strides = array<i32>} : memref<50x1000xf32, #tpu.memory_space<vmem>>, vector<16xf32>,
      %multiple_of3A_495 = arith.constant 880 : i32
      %multiple_of3A_496 = tpu.assume_multiple %multiple_of3A_495, 16 : i32
      %swap3A_497 = arith.index_cast %add3A_221 : i32 to index
      %swap3A_498 = arith.index_cast %multiple_of3A_496 : i32 to index
      %swap3A_499 = tpu.vector_load %arg5[%swap3A_497, %swap3A_498] {strides = array<i32>} : memref<50x1000xf32, #tpu.memory_space<vmem>>, vector<16xf32>,
      tpu.vector_store %arg5[%swap3A_497, %swap3A_498], %broadcast_in_dim3A_9 {strides = array<i32>} : memref<50x1000xf32, #tpu.memory_space<vmem>>, vector<16xf32>,
      %multiple_of3A_500 = arith.constant 896 : i32
      %multiple_of3A_501 = tpu.assume_multiple %multiple_of3A_500, 16 : i32
      %swap3A_502 = arith.index_cast %add3A_221 : i32 to index
      %swap3A_503 = arith.index_cast %multiple_of3A_501 : i32 to index
      %swap3A_504 = tpu.vector_load %arg5[%swap3A_502, %swap3A_503] {strides = array<i32>} : memref<50x1000xf32, #tpu.memory_space<vmem>>, vector<16xf32>,
      tpu.vector_store %arg5[%swap3A_502, %swap3A_503], %broadcast_in_dim3A_9 {strides = array<i32>} : memref<50x1000xf32, #tpu.memory_space<vmem>>, vector<16xf32>,
      %multiple_of3A_505 = arith.constant 912 : i32
      %multiple_of3A_506 = tpu.assume_multiple %multiple_of3A_505, 16 : i32
      %swap3A_507 = arith.index_cast %add3A_221 : i32 to index
      %swap3A_508 = arith.index_cast %multiple_of3A_506 : i32 to index
      %swap3A_509 = tpu.vector_load %arg5[%swap3A_507, %swap3A_508] {strides = array<i32>} : memref<50x1000xf32, #tpu.memory_space<vmem>>, vector<16xf32>,
      tpu.vector_store %arg5[%swap3A_507, %swap3A_508], %broadcast_in_dim3A_9 {strides = array<i32>} : memref<50x1000xf32, #tpu.memory_space<vmem>>, vector<16xf32>,
      %multiple_of3A_510 = arith.constant 928 : i32
      %multiple_of3A_511 = tpu.assume_multiple %multiple_of3A_510, 16 : i32
      %swap3A_512 = arith.index_cast %add3A_221 : i32 to index
      %swap3A_513 = arith.index_cast %multiple_of3A_511 : i32 to index
      %swap3A_514 = tpu.vector_load %arg5[%swap3A_512, %swap3A_513] {strides = array<i32>} : memref<50x1000xf32, #tpu.memory_space<vmem>>, vector<16xf32>,
      tpu.vector_store %arg5[%swap3A_512, %swap3A_513], %broadcast_in_dim3A_9 {strides = array<i32>} : memref<50x1000xf32, #tpu.memory_space<vmem>>, vector<16xf32>,
      %multiple_of3A_515 = arith.constant 944 : i32
      %multiple_of3A_516 = tpu.assume_multiple %multiple_of3A_515, 16 : i32
      %swap3A_517 = arith.index_cast %add3A_221 : i32 to index
      %swap3A_518 = arith.index_cast %multiple_of3A_516 : i32 to index
      %swap3A_519 = tpu.vector_load %arg5[%swap3A_517, %swap3A_518] {strides = array<i32>} : memref<50x1000xf32, #tpu.memory_space<vmem>>, vector<16xf32>,
      tpu.vector_store %arg5[%swap3A_517, %swap3A_518], %broadcast_in_dim3A_9 {strides = array<i32>} : memref<50x1000xf32, #tpu.memory_space<vmem>>, vector<16xf32>,
      %multiple_of3A_520 = arith.constant 960 : i32
      %multiple_of3A_521 = tpu.assume_multiple %multiple_of3A_520, 16 : i32
      %swap3A_522 = arith.index_cast %add3A_221 : i32 to index
      %swap3A_523 = arith.index_cast %multiple_of3A_521 : i32 to index
      %swap3A_524 = tpu.vector_load %arg5[%swap3A_522, %swap3A_523] {strides = array<i32>} : memref<50x1000xf32, #tpu.memory_space<vmem>>, vector<16xf32>,
      tpu.vector_store %arg5[%swap3A_522, %swap3A_523], %broadcast_in_dim3A_9 {strides = array<i32>} : memref<50x1000xf32, #tpu.memory_space<vmem>>, vector<16xf32>,
      %multiple_of3A_525 = arith.constant 976 : i32
      %multiple_of3A_526 = tpu.assume_multiple %multiple_of3A_525, 16 : i32
      %swap3A_527 = arith.index_cast %add3A_221 : i32 to index
      %swap3A_528 = arith.index_cast %multiple_of3A_526 : i32 to index
      %swap3A_529 = tpu.vector_load %arg5[%swap3A_527, %swap3A_528] {strides = array<i32>} : memref<50x1000xf32, #tpu.memory_space<vmem>>, vector<16xf32>,
      tpu.vector_store %arg5[%swap3A_527, %swap3A_528], %broadcast_in_dim3A_9 {strides = array<i32>} : memref<50x1000xf32, #tpu.memory_space<vmem>>, vector<16xf32>,
    }
    %scan3A_15 = arith.constant 50 : i32
    %add3A_16 = arith.constant 0 : i32
    %add3A_17 = vector.broadcast %add3A_16 : i32 to vector<16xi32>
    %add3A_18 = arith.addi %iota3A, %add3A_17 : vector<16xi32>
    %lt3A = arith.constant 50 : i32
    %lt3A_19 = vector.broadcast %lt3A : i32 to vector<16xi32>
    %lt3A_20 = arith.cmpi slt, %add3A_18, %lt3A_19 : vector<16xi32>
    %broadcast_in_dim3A_21 = arith.constant 992 : i32
    %broadcast_in_dim3A_22 = vector.broadcast %broadcast_in_dim3A_21 : i32 to vector<16xi32>
    tpu.vector_store_idx %arg5[%add3A_18, %broadcast_in_dim3A_22], %broadcast_in_dim3A_9 masked %lt3A_20 : memref<50x1000xf32, #tpu.memory_space<vmem>>[vector<16xi32>, vector<16xi32>], vector<16xf32>, vector<16xi1>
    %broadcast_in_dim3A_23 = arith.constant 993 : i32
    %broadcast_in_dim3A_24 = vector.broadcast %broadcast_in_dim3A_23 : i32 to vector<16xi32>
    tpu.vector_store_idx %arg5[%add3A_18, %broadcast_in_dim3A_24], %broadcast_in_dim3A_9 masked %lt3A_20 : memref<50x1000xf32, #tpu.memory_space<vmem>>[vector<16xi32>, vector<16xi32>], vector<16xf32>, vector<16xi1>
    %broadcast_in_dim3A_25 = arith.constant 994 : i32
    %broadcast_in_dim3A_26 = vector.broadcast %broadcast_in_dim3A_25 : i32 to vector<16xi32>
    tpu.vector_store_idx %arg5[%add3A_18, %broadcast_in_dim3A_26], %broadcast_in_dim3A_9 masked %lt3A_20 : memref<50x1000xf32, #tpu.memory_space<vmem>>[vector<16xi32>, vector<16xi32>], vector<16xf32>, vector<16xi1>
    %broadcast_in_dim3A_27 = arith.constant 995 : i32
    %broadcast_in_dim3A_28 = vector.broadcast %broadcast_in_dim3A_27 : i32 to vector<16xi32>
    tpu.vector_store_idx %arg5[%add3A_18, %broadcast_in_dim3A_28], %broadcast_in_dim3A_9 masked %lt3A_20 : memref<50x1000xf32, #tpu.memory_space<vmem>>[vector<16xi32>, vector<16xi32>], vector<16xf32>, vector<16xi1>
    %broadcast_in_dim3A_29 = arith.constant 996 : i32
    %broadcast_in_dim3A_30 = vector.broadcast %broadcast_in_dim3A_29 : i32 to vector<16xi32>
    tpu.vector_store_idx %arg5[%add3A_18, %broadcast_in_dim3A_30], %broadcast_in_dim3A_9 masked %lt3A_20 : memref<50x1000xf32, #tpu.memory_space<vmem>>[vector<16xi32>, vector<16xi32>], vector<16xf32>, vector<16xi1>
    %broadcast_in_dim3A_31 = arith.constant 997 : i32
    %broadcast_in_dim3A_32 = vector.broadcast %broadcast_in_dim3A_31 : i32 to vector<16xi32>
    tpu.vector_store_idx %arg5[%add3A_18, %broadcast_in_dim3A_32], %broadcast_in_dim3A_9 masked %lt3A_20 : memref<50x1000xf32, #tpu.memory_space<vmem>>[vector<16xi32>, vector<16xi32>], vector<16xf32>, vector<16xi1>
    %broadcast_in_dim3A_33 = arith.constant 998 : i32
    %broadcast_in_dim3A_34 = vector.broadcast %broadcast_in_dim3A_33 : i32 to vector<16xi32>
    tpu.vector_store_idx %arg5[%add3A_18, %broadcast_in_dim3A_34], %broadcast_in_dim3A_9 masked %lt3A_20 : memref<50x1000xf32, #tpu.memory_space<vmem>>[vector<16xi32>, vector<16xi32>], vector<16xf32>, vector<16xi1>
    %broadcast_in_dim3A_35 = arith.constant 999 : i32
    %broadcast_in_dim3A_36 = vector.broadcast %broadcast_in_dim3A_35 : i32 to vector<16xi32>
    tpu.vector_store_idx %arg5[%add3A_18, %broadcast_in_dim3A_36], %broadcast_in_dim3A_9 masked %lt3A_20 : memref<50x1000xf32, #tpu.memory_space<vmem>>[vector<16xi32>, vector<16xi32>], vector<16xf32>, vector<16xi1>
    %add3A_37 = arith.constant 16 : i32
    %add3A_38 = vector.broadcast %add3A_37 : i32 to vector<16xi32>
    %add3A_39 = arith.addi %iota3A, %add3A_38 : vector<16xi32>
    %lt3A_40 = arith.constant 50 : i32
    %lt3A_41 = vector.broadcast %lt3A_40 : i32 to vector<16xi32>
    %lt3A_42 = arith.cmpi slt, %add3A_39, %lt3A_41 : vector<16xi32>
    %broadcast_in_dim3A_43 = arith.constant 992 : i32
    %broadcast_in_dim3A_44 = vector.broadcast %broadcast_in_dim3A_43 : i32 to vector<16xi32>
    tpu.vector_store_idx %arg5[%add3A_39, %broadcast_in_dim3A_44], %broadcast_in_dim3A_9 masked %lt3A_42 : memref<50x1000xf32, #tpu.memory_space<vmem>>[vector<16xi32>, vector<16xi32>], vector<16xf32>, vector<16xi1>
    %broadcast_in_dim3A_45 = arith.constant 993 : i32
    %broadcast_in_dim3A_46 = vector.broadcast %broadcast_in_dim3A_45 : i32 to vector<16xi32>
    tpu.vector_store_idx %arg5[%add3A_39, %broadcast_in_dim3A_46], %broadcast_in_dim3A_9 masked %lt3A_42 : memref<50x1000xf32, #tpu.memory_space<vmem>>[vector<16xi32>, vector<16xi32>], vector<16xf32>, vector<16xi1>
    %broadcast_in_dim3A_47 = arith.constant 994 : i32
    %broadcast_in_dim3A_48 = vector.broadcast %broadcast_in_dim3A_47 : i32 to vector<16xi32>
    tpu.vector_store_idx %arg5[%add3A_39, %broadcast_in_dim3A_48], %broadcast_in_dim3A_9 masked %lt3A_42 : memref<50x1000xf32, #tpu.memory_space<vmem>>[vector<16xi32>, vector<16xi32>], vector<16xf32>, vector<16xi1>
    %broadcast_in_dim3A_49 = arith.constant 995 : i32
    %broadcast_in_dim3A_50 = vector.broadcast %broadcast_in_dim3A_49 : i32 to vector<16xi32>
    tpu.vector_store_idx %arg5[%add3A_39, %broadcast_in_dim3A_50], %broadcast_in_dim3A_9 masked %lt3A_42 : memref<50x1000xf32, #tpu.memory_space<vmem>>[vector<16xi32>, vector<16xi32>], vector<16xf32>, vector<16xi1>
    %broadcast_in_dim3A_51 = arith.constant 996 : i32
    %broadcast_in_dim3A_52 = vector.broadcast %broadcast_in_dim3A_51 : i32 to vector<16xi32>
    tpu.vector_store_idx %arg5[%add3A_39, %broadcast_in_dim3A_52], %broadcast_in_dim3A_9 masked %lt3A_42 : memref<50x1000xf32, #tpu.memory_space<vmem>>[vector<16xi32>, vector<16xi32>], vector<16xf32>, vector<16xi1>
    %broadcast_in_dim3A_53 = arith.constant 997 : i32
    %broadcast_in_dim3A_54 = vector.broadcast %broadcast_in_dim3A_53 : i32 to vector<16xi32>
    tpu.vector_store_idx %arg5[%add3A_39, %broadcast_in_dim3A_54], %broadcast_in_dim3A_9 masked %lt3A_42 : memref<50x1000xf32, #tpu.memory_space<vmem>>[vector<16xi32>, vector<16xi32>], vector<16xf32>, vector<16xi1>
    %broadcast_in_dim3A_55 = arith.constant 998 : i32
    %broadcast_in_dim3A_56 = vector.broadcast %broadcast_in_dim3A_55 : i32 to vector<16xi32>
    tpu.vector_store_idx %arg5[%add3A_39, %broadcast_in_dim3A_56], %broadcast_in_dim3A_9 masked %lt3A_42 : memref<50x1000xf32, #tpu.memory_space<vmem>>[vector<16xi32>, vector<16xi32>], vector<16xf32>, vector<16xi1>
    %broadcast_in_dim3A_57 = arith.constant 999 : i32
    %broadcast_in_dim3A_58 = vector.broadcast %broadcast_in_dim3A_57 : i32 to vector<16xi32>
    tpu.vector_store_idx %arg5[%add3A_39, %broadcast_in_dim3A_58], %broadcast_in_dim3A_9 masked %lt3A_42 : memref<50x1000xf32, #tpu.memory_space<vmem>>[vector<16xi32>, vector<16xi32>], vector<16xf32>, vector<16xi1>
    %add3A_59 = arith.constant 32 : i32
    %add3A_60 = vector.broadcast %add3A_59 : i32 to vector<16xi32>
    %add3A_61 = arith.addi %iota3A, %add3A_60 : vector<16xi32>
    %lt3A_62 = arith.constant 50 : i32
    %lt3A_63 = vector.broadcast %lt3A_62 : i32 to vector<16xi32>
    %lt3A_64 = arith.cmpi slt, %add3A_61, %lt3A_63 : vector<16xi32>
    %broadcast_in_dim3A_65 = arith.constant 992 : i32
    %broadcast_in_dim3A_66 = vector.broadcast %broadcast_in_dim3A_65 : i32 to vector<16xi32>
    tpu.vector_store_idx %arg5[%add3A_61, %broadcast_in_dim3A_66], %broadcast_in_dim3A_9 masked %lt3A_64 : memref<50x1000xf32, #tpu.memory_space<vmem>>[vector<16xi32>, vector<16xi32>], vector<16xf32>, vector<16xi1>
    %broadcast_in_dim3A_67 = arith.constant 993 : i32
    %broadcast_in_dim3A_68 = vector.broadcast %broadcast_in_dim3A_67 : i32 to vector<16xi32>
    tpu.vector_store_idx %arg5[%add3A_61, %broadcast_in_dim3A_68], %broadcast_in_dim3A_9 masked %lt3A_64 : memref<50x1000xf32, #tpu.memory_space<vmem>>[vector<16xi32>, vector<16xi32>], vector<16xf32>, vector<16xi1>
    %broadcast_in_dim3A_69 = arith.constant 994 : i32
    %broadcast_in_dim3A_70 = vector.broadcast %broadcast_in_dim3A_69 : i32 to vector<16xi32>
    tpu.vector_store_idx %arg5[%add3A_61, %broadcast_in_dim3A_70], %broadcast_in_dim3A_9 masked %lt3A_64 : memref<50x1000xf32, #tpu.memory_space<vmem>>[vector<16xi32>, vector<16xi32>], vector<16xf32>, vector<16xi1>
    %broadcast_in_dim3A_71 = arith.constant 995 : i32
    %broadcast_in_dim3A_72 = vector.broadcast %broadcast_in_dim3A_71 : i32 to vector<16xi32>
    tpu.vector_store_idx %arg5[%add3A_61, %broadcast_in_dim3A_72], %broadcast_in_dim3A_9 masked %lt3A_64 : memref<50x1000xf32, #tpu.memory_space<vmem>>[vector<16xi32>, vector<16xi32>], vector<16xf32>, vector<16xi1>
    %broadcast_in_dim3A_73 = arith.constant 996 : i32
    %broadcast_in_dim3A_74 = vector.broadcast %broadcast_in_dim3A_73 : i32 to vector<16xi32>
    tpu.vector_store_idx %arg5[%add3A_61, %broadcast_in_dim3A_74], %broadcast_in_dim3A_9 masked %lt3A_64 : memref<50x1000xf32, #tpu.memory_space<vmem>>[vector<16xi32>, vector<16xi32>], vector<16xf32>, vector<16xi1>
    %broadcast_in_dim3A_75 = arith.constant 997 : i32
    %broadcast_in_dim3A_76 = vector.broadcast %broadcast_in_dim3A_75 : i32 to vector<16xi32>
    tpu.vector_store_idx %arg5[%add3A_61, %broadcast_in_dim3A_76], %broadcast_in_dim3A_9 masked %lt3A_64 : memref<50x1000xf32, #tpu.memory_space<vmem>>[vector<16xi32>, vector<16xi32>], vector<16xf32>, vector<16xi1>
    %broadcast_in_dim3A_77 = arith.constant 998 : i32
    %broadcast_in_dim3A_78 = vector.broadcast %broadcast_in_dim3A_77 : i32 to vector<16xi32>
    tpu.vector_store_idx %arg5[%add3A_61, %broadcast_in_dim3A_78], %broadcast_in_dim3A_9 masked %lt3A_64 : memref<50x1000xf32, #tpu.memory_space<vmem>>[vector<16xi32>, vector<16xi32>], vector<16xf32>, vector<16xi1>
    %broadcast_in_dim3A_79 = arith.constant 999 : i32
    %broadcast_in_dim3A_80 = vector.broadcast %broadcast_in_dim3A_79 : i32 to vector<16xi32>
    tpu.vector_store_idx %arg5[%add3A_61, %broadcast_in_dim3A_80], %broadcast_in_dim3A_9 masked %lt3A_64 : memref<50x1000xf32, #tpu.memory_space<vmem>>[vector<16xi32>, vector<16xi32>], vector<16xf32>, vector<16xi1>
    %add3A_81 = arith.constant 48 : i32
    %add3A_82 = vector.broadcast %add3A_81 : i32 to vector<16xi32>
    %add3A_83 = arith.addi %iota3A, %add3A_82 : vector<16xi32>
    %lt3A_84 = arith.constant 50 : i32
    %lt3A_85 = vector.broadcast %lt3A_84 : i32 to vector<16xi32>
    %lt3A_86 = arith.cmpi slt, %add3A_83, %lt3A_85 : vector<16xi32>
    %broadcast_in_dim3A_87 = arith.constant 992 : i32
    %broadcast_in_dim3A_88 = vector.broadcast %broadcast_in_dim3A_87 : i32 to vector<16xi32>
    tpu.vector_store_idx %arg5[%add3A_83, %broadcast_in_dim3A_88], %broadcast_in_dim3A_9 masked %lt3A_86 : memref<50x1000xf32, #tpu.memory_space<vmem>>[vector<16xi32>, vector<16xi32>], vector<16xf32>, vector<16xi1>
    %broadcast_in_dim3A_89 = arith.constant 993 : i32
    %broadcast_in_dim3A_90 = vector.broadcast %broadcast_in_dim3A_89 : i32 to vector<16xi32>
    tpu.vector_store_idx %arg5[%add3A_83, %broadcast_in_dim3A_90], %broadcast_in_dim3A_9 masked %lt3A_86 : memref<50x1000xf32, #tpu.memory_space<vmem>>[vector<16xi32>, vector<16xi32>], vector<16xf32>, vector<16xi1>
    %broadcast_in_dim3A_91 = arith.constant 994 : i32
    %broadcast_in_dim3A_92 = vector.broadcast %broadcast_in_dim3A_91 : i32 to vector<16xi32>
    tpu.vector_store_idx %arg5[%add3A_83, %broadcast_in_dim3A_92], %broadcast_in_dim3A_9 masked %lt3A_86 : memref<50x1000xf32, #tpu.memory_space<vmem>>[vector<16xi32>, vector<16xi32>], vector<16xf32>, vector<16xi1>
    %broadcast_in_dim3A_93 = arith.constant 995 : i32
    %broadcast_in_dim3A_94 = vector.broadcast %broadcast_in_dim3A_93 : i32 to vector<16xi32>
    tpu.vector_store_idx %arg5[%add3A_83, %broadcast_in_dim3A_94], %broadcast_in_dim3A_9 masked %lt3A_86 : memref<50x1000xf32, #tpu.memory_space<vmem>>[vector<16xi32>, vector<16xi32>], vector<16xf32>, vector<16xi1>
    %broadcast_in_dim3A_95 = arith.constant 996 : i32
    %broadcast_in_dim3A_96 = vector.broadcast %broadcast_in_dim3A_95 : i32 to vector<16xi32>
    tpu.vector_store_idx %arg5[%add3A_83, %broadcast_in_dim3A_96], %broadcast_in_dim3A_9 masked %lt3A_86 : memref<50x1000xf32, #tpu.memory_space<vmem>>[vector<16xi32>, vector<16xi32>], vector<16xf32>, vector<16xi1>
    %broadcast_in_dim3A_97 = arith.constant 997 : i32
    %broadcast_in_dim3A_98 = vector.broadcast %broadcast_in_dim3A_97 : i32 to vector<16xi32>
    tpu.vector_store_idx %arg5[%add3A_83, %broadcast_in_dim3A_98], %broadcast_in_dim3A_9 masked %lt3A_86 : memref<50x1000xf32, #tpu.memory_space<vmem>>[vector<16xi32>, vector<16xi32>], vector<16xf32>, vector<16xi1>
    %broadcast_in_dim3A_99 = arith.constant 998 : i32
    %broadcast_in_dim3A_100 = vector.broadcast %broadcast_in_dim3A_99 : i32 to vector<16xi32>
    tpu.vector_store_idx %arg5[%add3A_83, %broadcast_in_dim3A_100], %broadcast_in_dim3A_9 masked %lt3A_86 : memref<50x1000xf32, #tpu.memory_space<vmem>>[vector<16xi32>, vector<16xi32>], vector<16xf32>, vector<16xi1>
    %broadcast_in_dim3A_101 = arith.constant 999 : i32
    %broadcast_in_dim3A_102 = vector.broadcast %broadcast_in_dim3A_101 : i32 to vector<16xi32>
    tpu.vector_store_idx %arg5[%add3A_83, %broadcast_in_dim3A_102], %broadcast_in_dim3A_9 masked %lt3A_86 : memref<50x1000xf32, #tpu.memory_space<vmem>>[vector<16xi32>, vector<16xi32>], vector<16xf32>, vector<16xi1>
    %scan3A_103 = arith.constant 0 : i32
    %scan3A_104 = arith.constant 50 : i32
    %scan3A_105 = arith.addi %scan3A_103, %scan3A_104 : i32
    %scan3A_106 = arith.constant 1 : i32
    scf.for %scan3A_217 = %scan3A_103 to %scan3A_105 step %scan3A_106  : i32 {
      %mul3A_218 = arith.constant 1 : i32
      %mul3A_219 = arith.muli %scan3A_217, %mul3A_218 : i32
      %add3A_220 = arith.constant 0 : i32
      %add3A_221 = arith.addi %add3A_220, %mul3A_219 : i32
      %multiple_of3A = arith.constant 0 : i32
      %multiple_of3A_222 = tpu.assume_multiple %multiple_of3A, 16 : i32
      %swap3A = arith.index_cast %add3A_221 : i32 to index
      %swap3A_223 = arith.index_cast %multiple_of3A_222 : i32 to index
      %swap3A_224 = tpu.vector_load %arg6[%swap3A, %swap3A_223] {strides = array<i32>} : memref<50x1000xf32, #tpu.memory_space<vmem>>, vector<16xf32>,
      tpu.vector_store %arg6[%swap3A, %swap3A_223], %broadcast_in_dim3A_9 {strides = array<i32>} : memref<50x1000xf32, #tpu.memory_space<vmem>>, vector<16xf32>,
      %multiple_of3A_225 = arith.constant 16 : i32
      %multiple_of3A_226 = tpu.assume_multiple %multiple_of3A_225, 16 : i32
      %swap3A_227 = arith.index_cast %add3A_221 : i32 to index
      %swap3A_228 = arith.index_cast %multiple_of3A_226 : i32 to index
      %swap3A_229 = tpu.vector_load %arg6[%swap3A_227, %swap3A_228] {strides = array<i32>} : memref<50x1000xf32, #tpu.memory_space<vmem>>, vector<16xf32>,
      tpu.vector_store %arg6[%swap3A_227, %swap3A_228], %broadcast_in_dim3A_9 {strides = array<i32>} : memref<50x1000xf32, #tpu.memory_space<vmem>>, vector<16xf32>,
      %multiple_of3A_230 = arith.constant 32 : i32
      %multiple_of3A_231 = tpu.assume_multiple %multiple_of3A_230, 16 : i32
      %swap3A_232 = arith.index_cast %add3A_221 : i32 to index
      %swap3A_233 = arith.index_cast %multiple_of3A_231 : i32 to index
      %swap3A_234 = tpu.vector_load %arg6[%swap3A_232, %swap3A_233] {strides = array<i32>} : memref<50x1000xf32, #tpu.memory_space<vmem>>, vector<16xf32>,
      tpu.vector_store %arg6[%swap3A_232, %swap3A_233], %broadcast_in_dim3A_9 {strides = array<i32>} : memref<50x1000xf32, #tpu.memory_space<vmem>>, vector<16xf32>,
      %multiple_of3A_235 = arith.constant 48 : i32
      %multiple_of3A_236 = tpu.assume_multiple %multiple_of3A_235, 16 : i32
      %swap3A_237 = arith.index_cast %add3A_221 : i32 to index
      %swap3A_238 = arith.index_cast %multiple_of3A_236 : i32 to index
      %swap3A_239 = tpu.vector_load %arg6[%swap3A_237, %swap3A_238] {strides = array<i32>} : memref<50x1000xf32, #tpu.memory_space<vmem>>, vector<16xf32>,
      tpu.vector_store %arg6[%swap3A_237, %swap3A_238], %broadcast_in_dim3A_9 {strides = array<i32>} : memref<50x1000xf32, #tpu.memory_space<vmem>>, vector<16xf32>,
      %multiple_of3A_240 = arith.constant 64 : i32
      %multiple_of3A_241 = tpu.assume_multiple %multiple_of3A_240, 16 : i32
      %swap3A_242 = arith.index_cast %add3A_221 : i32 to index
      %swap3A_243 = arith.index_cast %multiple_of3A_241 : i32 to index
      %swap3A_244 = tpu.vector_load %arg6[%swap3A_242, %swap3A_243] {strides = array<i32>} : memref<50x1000xf32, #tpu.memory_space<vmem>>, vector<16xf32>,
      tpu.vector_store %arg6[%swap3A_242, %swap3A_243], %broadcast_in_dim3A_9 {strides = array<i32>} : memref<50x1000xf32, #tpu.memory_space<vmem>>, vector<16xf32>,
      %multiple_of3A_245 = arith.constant 80 : i32
      %multiple_of3A_246 = tpu.assume_multiple %multiple_of3A_245, 16 : i32
      %swap3A_247 = arith.index_cast %add3A_221 : i32 to index
      %swap3A_248 = arith.index_cast %multiple_of3A_246 : i32 to index
      %swap3A_249 = tpu.vector_load %arg6[%swap3A_247, %swap3A_248] {strides = array<i32>} : memref<50x1000xf32, #tpu.memory_space<vmem>>, vector<16xf32>,
      tpu.vector_store %arg6[%swap3A_247, %swap3A_248], %broadcast_in_dim3A_9 {strides = array<i32>} : memref<50x1000xf32, #tpu.memory_space<vmem>>, vector<16xf32>,
      %multiple_of3A_250 = arith.constant 96 : i32
      %multiple_of3A_251 = tpu.assume_multiple %multiple_of3A_250, 16 : i32
      %swap3A_252 = arith.index_cast %add3A_221 : i32 to index
      %swap3A_253 = arith.index_cast %multiple_of3A_251 : i32 to index
      %swap3A_254 = tpu.vector_load %arg6[%swap3A_252, %swap3A_253] {strides = array<i32>} : memref<50x1000xf32, #tpu.memory_space<vmem>>, vector<16xf32>,
      tpu.vector_store %arg6[%swap3A_252, %swap3A_253], %broadcast_in_dim3A_9 {strides = array<i32>} : memref<50x1000xf32, #tpu.memory_space<vmem>>, vector<16xf32>,
      %multiple_of3A_255 = arith.constant 112 : i32
      %multiple_of3A_256 = tpu.assume_multiple %multiple_of3A_255, 16 : i32
      %swap3A_257 = arith.index_cast %add3A_221 : i32 to index
      %swap3A_258 = arith.index_cast %multiple_of3A_256 : i32 to index
      %swap3A_259 = tpu.vector_load %arg6[%swap3A_257, %swap3A_258] {strides = array<i32>} : memref<50x1000xf32, #tpu.memory_space<vmem>>, vector<16xf32>,
      tpu.vector_store %arg6[%swap3A_257, %swap3A_258], %broadcast_in_dim3A_9 {strides = array<i32>} : memref<50x1000xf32, #tpu.memory_space<vmem>>, vector<16xf32>,
      %multiple_of3A_260 = arith.constant 128 : i32
      %multiple_of3A_261 = tpu.assume_multiple %multiple_of3A_260, 16 : i32
      %swap3A_262 = arith.index_cast %add3A_221 : i32 to index
      %swap3A_263 = arith.index_cast %multiple_of3A_261 : i32 to index
      %swap3A_264 = tpu.vector_load %arg6[%swap3A_262, %swap3A_263] {strides = array<i32>} : memref<50x1000xf32, #tpu.memory_space<vmem>>, vector<16xf32>,
      tpu.vector_store %arg6[%swap3A_262, %swap3A_263], %broadcast_in_dim3A_9 {strides = array<i32>} : memref<50x1000xf32, #tpu.memory_space<vmem>>, vector<16xf32>,
      %multiple_of3A_265 = arith.constant 144 : i32
      %multiple_of3A_266 = tpu.assume_multiple %multiple_of3A_265, 16 : i32
      %swap3A_267 = arith.index_cast %add3A_221 : i32 to index
      %swap3A_268 = arith.index_cast %multiple_of3A_266 : i32 to index
      %swap3A_269 = tpu.vector_load %arg6[%swap3A_267, %swap3A_268] {strides = array<i32>} : memref<50x1000xf32, #tpu.memory_space<vmem>>, vector<16xf32>,
      tpu.vector_store %arg6[%swap3A_267, %swap3A_268], %broadcast_in_dim3A_9 {strides = array<i32>} : memref<50x1000xf32, #tpu.memory_space<vmem>>, vector<16xf32>,
      %multiple_of3A_270 = arith.constant 160 : i32
      %multiple_of3A_271 = tpu.assume_multiple %multiple_of3A_270, 16 : i32
      %swap3A_272 = arith.index_cast %add3A_221 : i32 to index
      %swap3A_273 = arith.index_cast %multiple_of3A_271 : i32 to index
      %swap3A_274 = tpu.vector_load %arg6[%swap3A_272, %swap3A_273] {strides = array<i32>} : memref<50x1000xf32, #tpu.memory_space<vmem>>, vector<16xf32>,
      tpu.vector_store %arg6[%swap3A_272, %swap3A_273], %broadcast_in_dim3A_9 {strides = array<i32>} : memref<50x1000xf32, #tpu.memory_space<vmem>>, vector<16xf32>,
      %multiple_of3A_275 = arith.constant 176 : i32
      %multiple_of3A_276 = tpu.assume_multiple %multiple_of3A_275, 16 : i32
      %swap3A_277 = arith.index_cast %add3A_221 : i32 to index
      %swap3A_278 = arith.index_cast %multiple_of3A_276 : i32 to index
      %swap3A_279 = tpu.vector_load %arg6[%swap3A_277, %swap3A_278] {strides = array<i32>} : memref<50x1000xf32, #tpu.memory_space<vmem>>, vector<16xf32>,
      tpu.vector_store %arg6[%swap3A_277, %swap3A_278], %broadcast_in_dim3A_9 {strides = array<i32>} : memref<50x1000xf32, #tpu.memory_space<vmem>>, vector<16xf32>,
      %multiple_of3A_280 = arith.constant 192 : i32
      %multiple_of3A_281 = tpu.assume_multiple %multiple_of3A_280, 16 : i32
      %swap3A_282 = arith.index_cast %add3A_221 : i32 to index
      %swap3A_283 = arith.index_cast %multiple_of3A_281 : i32 to index
      %swap3A_284 = tpu.vector_load %arg6[%swap3A_282, %swap3A_283] {strides = array<i32>} : memref<50x1000xf32, #tpu.memory_space<vmem>>, vector<16xf32>,
      tpu.vector_store %arg6[%swap3A_282, %swap3A_283], %broadcast_in_dim3A_9 {strides = array<i32>} : memref<50x1000xf32, #tpu.memory_space<vmem>>, vector<16xf32>,
      %multiple_of3A_285 = arith.constant 208 : i32
      %multiple_of3A_286 = tpu.assume_multiple %multiple_of3A_285, 16 : i32
      %swap3A_287 = arith.index_cast %add3A_221 : i32 to index
      %swap3A_288 = arith.index_cast %multiple_of3A_286 : i32 to index
      %swap3A_289 = tpu.vector_load %arg6[%swap3A_287, %swap3A_288] {strides = array<i32>} : memref<50x1000xf32, #tpu.memory_space<vmem>>, vector<16xf32>,
      tpu.vector_store %arg6[%swap3A_287, %swap3A_288], %broadcast_in_dim3A_9 {strides = array<i32>} : memref<50x1000xf32, #tpu.memory_space<vmem>>, vector<16xf32>,
      %multiple_of3A_290 = arith.constant 224 : i32
      %multiple_of3A_291 = tpu.assume_multiple %multiple_of3A_290, 16 : i32
      %swap3A_292 = arith.index_cast %add3A_221 : i32 to index
      %swap3A_293 = arith.index_cast %multiple_of3A_291 : i32 to index
      %swap3A_294 = tpu.vector_load %arg6[%swap3A_292, %swap3A_293] {strides = array<i32>} : memref<50x1000xf32, #tpu.memory_space<vmem>>, vector<16xf32>,
      tpu.vector_store %arg6[%swap3A_292, %swap3A_293], %broadcast_in_dim3A_9 {strides = array<i32>} : memref<50x1000xf32, #tpu.memory_space<vmem>>, vector<16xf32>,
      %multiple_of3A_295 = arith.constant 240 : i32
      %multiple_of3A_296 = tpu.assume_multiple %multiple_of3A_295, 16 : i32
      %swap3A_297 = arith.index_cast %add3A_221 : i32 to index
      %swap3A_298 = arith.index_cast %multiple_of3A_296 : i32 to index
      %swap3A_299 = tpu.vector_load %arg6[%swap3A_297, %swap3A_298] {strides = array<i32>} : memref<50x1000xf32, #tpu.memory_space<vmem>>, vector<16xf32>,
      tpu.vector_store %arg6[%swap3A_297, %swap3A_298], %broadcast_in_dim3A_9 {strides = array<i32>} : memref<50x1000xf32, #tpu.memory_space<vmem>>, vector<16xf32>,
      %multiple_of3A_300 = arith.constant 256 : i32
      %multiple_of3A_301 = tpu.assume_multiple %multiple_of3A_300, 16 : i32
      %swap3A_302 = arith.index_cast %add3A_221 : i32 to index
      %swap3A_303 = arith.index_cast %multiple_of3A_301 : i32 to index
      %swap3A_304 = tpu.vector_load %arg6[%swap3A_302, %swap3A_303] {strides = array<i32>} : memref<50x1000xf32, #tpu.memory_space<vmem>>, vector<16xf32>,
      tpu.vector_store %arg6[%swap3A_302, %swap3A_303], %broadcast_in_dim3A_9 {strides = array<i32>} : memref<50x1000xf32, #tpu.memory_space<vmem>>, vector<16xf32>,
      %multiple_of3A_305 = arith.constant 272 : i32
      %multiple_of3A_306 = tpu.assume_multiple %multiple_of3A_305, 16 : i32
      %swap3A_307 = arith.index_cast %add3A_221 : i32 to index
      %swap3A_308 = arith.index_cast %multiple_of3A_306 : i32 to index
      %swap3A_309 = tpu.vector_load %arg6[%swap3A_307, %swap3A_308] {strides = array<i32>} : memref<50x1000xf32, #tpu.memory_space<vmem>>, vector<16xf32>,
      tpu.vector_store %arg6[%swap3A_307, %swap3A_308], %broadcast_in_dim3A_9 {strides = array<i32>} : memref<50x1000xf32, #tpu.memory_space<vmem>>, vector<16xf32>,
      %multiple_of3A_310 = arith.constant 288 : i32
      %multiple_of3A_311 = tpu.assume_multiple %multiple_of3A_310, 16 : i32
      %swap3A_312 = arith.index_cast %add3A_221 : i32 to index
      %swap3A_313 = arith.index_cast %multiple_of3A_311 : i32 to index
      %swap3A_314 = tpu.vector_load %arg6[%swap3A_312, %swap3A_313] {strides = array<i32>} : memref<50x1000xf32, #tpu.memory_space<vmem>>, vector<16xf32>,
      tpu.vector_store %arg6[%swap3A_312, %swap3A_313], %broadcast_in_dim3A_9 {strides = array<i32>} : memref<50x1000xf32, #tpu.memory_space<vmem>>, vector<16xf32>,
      %multiple_of3A_315 = arith.constant 304 : i32
      %multiple_of3A_316 = tpu.assume_multiple %multiple_of3A_315, 16 : i32
      %swap3A_317 = arith.index_cast %add3A_221 : i32 to index
      %swap3A_318 = arith.index_cast %multiple_of3A_316 : i32 to index
      %swap3A_319 = tpu.vector_load %arg6[%swap3A_317, %swap3A_318] {strides = array<i32>} : memref<50x1000xf32, #tpu.memory_space<vmem>>, vector<16xf32>,
      tpu.vector_store %arg6[%swap3A_317, %swap3A_318], %broadcast_in_dim3A_9 {strides = array<i32>} : memref<50x1000xf32, #tpu.memory_space<vmem>>, vector<16xf32>,
      %multiple_of3A_320 = arith.constant 320 : i32
      %multiple_of3A_321 = tpu.assume_multiple %multiple_of3A_320, 16 : i32
      %swap3A_322 = arith.index_cast %add3A_221 : i32 to index
      %swap3A_323 = arith.index_cast %multiple_of3A_321 : i32 to index
      %swap3A_324 = tpu.vector_load %arg6[%swap3A_322, %swap3A_323] {strides = array<i32>} : memref<50x1000xf32, #tpu.memory_space<vmem>>, vector<16xf32>,
      tpu.vector_store %arg6[%swap3A_322, %swap3A_323], %broadcast_in_dim3A_9 {strides = array<i32>} : memref<50x1000xf32, #tpu.memory_space<vmem>>, vector<16xf32>,
      %multiple_of3A_325 = arith.constant 336 : i32
      %multiple_of3A_326 = tpu.assume_multiple %multiple_of3A_325, 16 : i32
      %swap3A_327 = arith.index_cast %add3A_221 : i32 to index
      %swap3A_328 = arith.index_cast %multiple_of3A_326 : i32 to index
      %swap3A_329 = tpu.vector_load %arg6[%swap3A_327, %swap3A_328] {strides = array<i32>} : memref<50x1000xf32, #tpu.memory_space<vmem>>, vector<16xf32>,
      tpu.vector_store %arg6[%swap3A_327, %swap3A_328], %broadcast_in_dim3A_9 {strides = array<i32>} : memref<50x1000xf32, #tpu.memory_space<vmem>>, vector<16xf32>,
      %multiple_of3A_330 = arith.constant 352 : i32
      %multiple_of3A_331 = tpu.assume_multiple %multiple_of3A_330, 16 : i32
      %swap3A_332 = arith.index_cast %add3A_221 : i32 to index
      %swap3A_333 = arith.index_cast %multiple_of3A_331 : i32 to index
      %swap3A_334 = tpu.vector_load %arg6[%swap3A_332, %swap3A_333] {strides = array<i32>} : memref<50x1000xf32, #tpu.memory_space<vmem>>, vector<16xf32>,
      tpu.vector_store %arg6[%swap3A_332, %swap3A_333], %broadcast_in_dim3A_9 {strides = array<i32>} : memref<50x1000xf32, #tpu.memory_space<vmem>>, vector<16xf32>,
      %multiple_of3A_335 = arith.constant 368 : i32
      %multiple_of3A_336 = tpu.assume_multiple %multiple_of3A_335, 16 : i32
      %swap3A_337 = arith.index_cast %add3A_221 : i32 to index
      %swap3A_338 = arith.index_cast %multiple_of3A_336 : i32 to index
      %swap3A_339 = tpu.vector_load %arg6[%swap3A_337, %swap3A_338] {strides = array<i32>} : memref<50x1000xf32, #tpu.memory_space<vmem>>, vector<16xf32>,
      tpu.vector_store %arg6[%swap3A_337, %swap3A_338], %broadcast_in_dim3A_9 {strides = array<i32>} : memref<50x1000xf32, #tpu.memory_space<vmem>>, vector<16xf32>,
      %multiple_of3A_340 = arith.constant 384 : i32
      %multiple_of3A_341 = tpu.assume_multiple %multiple_of3A_340, 16 : i32
      %swap3A_342 = arith.index_cast %add3A_221 : i32 to index
      %swap3A_343 = arith.index_cast %multiple_of3A_341 : i32 to index
      %swap3A_344 = tpu.vector_load %arg6[%swap3A_342, %swap3A_343] {strides = array<i32>} : memref<50x1000xf32, #tpu.memory_space<vmem>>, vector<16xf32>,
      tpu.vector_store %arg6[%swap3A_342, %swap3A_343], %broadcast_in_dim3A_9 {strides = array<i32>} : memref<50x1000xf32, #tpu.memory_space<vmem>>, vector<16xf32>,
      %multiple_of3A_345 = arith.constant 400 : i32
      %multiple_of3A_346 = tpu.assume_multiple %multiple_of3A_345, 16 : i32
      %swap3A_347 = arith.index_cast %add3A_221 : i32 to index
      %swap3A_348 = arith.index_cast %multiple_of3A_346 : i32 to index
      %swap3A_349 = tpu.vector_load %arg6[%swap3A_347, %swap3A_348] {strides = array<i32>} : memref<50x1000xf32, #tpu.memory_space<vmem>>, vector<16xf32>,
      tpu.vector_store %arg6[%swap3A_347, %swap3A_348], %broadcast_in_dim3A_9 {strides = array<i32>} : memref<50x1000xf32, #tpu.memory_space<vmem>>, vector<16xf32>,
      %multiple_of3A_350 = arith.constant 416 : i32
      %multiple_of3A_351 = tpu.assume_multiple %multiple_of3A_350, 16 : i32
      %swap3A_352 = arith.index_cast %add3A_221 : i32 to index
      %swap3A_353 = arith.index_cast %multiple_of3A_351 : i32 to index
      %swap3A_354 = tpu.vector_load %arg6[%swap3A_352, %swap3A_353] {strides = array<i32>} : memref<50x1000xf32, #tpu.memory_space<vmem>>, vector<16xf32>,
      tpu.vector_store %arg6[%swap3A_352, %swap3A_353], %broadcast_in_dim3A_9 {strides = array<i32>} : memref<50x1000xf32, #tpu.memory_space<vmem>>, vector<16xf32>,
      %multiple_of3A_355 = arith.constant 432 : i32
      %multiple_of3A_356 = tpu.assume_multiple %multiple_of3A_355, 16 : i32
      %swap3A_357 = arith.index_cast %add3A_221 : i32 to index
      %swap3A_358 = arith.index_cast %multiple_of3A_356 : i32 to index
      %swap3A_359 = tpu.vector_load %arg6[%swap3A_357, %swap3A_358] {strides = array<i32>} : memref<50x1000xf32, #tpu.memory_space<vmem>>, vector<16xf32>,
      tpu.vector_store %arg6[%swap3A_357, %swap3A_358], %broadcast_in_dim3A_9 {strides = array<i32>} : memref<50x1000xf32, #tpu.memory_space<vmem>>, vector<16xf32>,
      %multiple_of3A_360 = arith.constant 448 : i32
      %multiple_of3A_361 = tpu.assume_multiple %multiple_of3A_360, 16 : i32
      %swap3A_362 = arith.index_cast %add3A_221 : i32 to index
      %swap3A_363 = arith.index_cast %multiple_of3A_361 : i32 to index
      %swap3A_364 = tpu.vector_load %arg6[%swap3A_362, %swap3A_363] {strides = array<i32>} : memref<50x1000xf32, #tpu.memory_space<vmem>>, vector<16xf32>,
      tpu.vector_store %arg6[%swap3A_362, %swap3A_363], %broadcast_in_dim3A_9 {strides = array<i32>} : memref<50x1000xf32, #tpu.memory_space<vmem>>, vector<16xf32>,
      %multiple_of3A_365 = arith.constant 464 : i32
      %multiple_of3A_366 = tpu.assume_multiple %multiple_of3A_365, 16 : i32
      %swap3A_367 = arith.index_cast %add3A_221 : i32 to index
      %swap3A_368 = arith.index_cast %multiple_of3A_366 : i32 to index
      %swap3A_369 = tpu.vector_load %arg6[%swap3A_367, %swap3A_368] {strides = array<i32>} : memref<50x1000xf32, #tpu.memory_space<vmem>>, vector<16xf32>,
      tpu.vector_store %arg6[%swap3A_367, %swap3A_368], %broadcast_in_dim3A_9 {strides = array<i32>} : memref<50x1000xf32, #tpu.memory_space<vmem>>, vector<16xf32>,
      %multiple_of3A_370 = arith.constant 480 : i32
      %multiple_of3A_371 = tpu.assume_multiple %multiple_of3A_370, 16 : i32
      %swap3A_372 = arith.index_cast %add3A_221 : i32 to index
      %swap3A_373 = arith.index_cast %multiple_of3A_371 : i32 to index
      %swap3A_374 = tpu.vector_load %arg6[%swap3A_372, %swap3A_373] {strides = array<i32>} : memref<50x1000xf32, #tpu.memory_space<vmem>>, vector<16xf32>,
      tpu.vector_store %arg6[%swap3A_372, %swap3A_373], %broadcast_in_dim3A_9 {strides = array<i32>} : memref<50x1000xf32, #tpu.memory_space<vmem>>, vector<16xf32>,
      %multiple_of3A_375 = arith.constant 496 : i32
      %multiple_of3A_376 = tpu.assume_multiple %multiple_of3A_375, 16 : i32
      %swap3A_377 = arith.index_cast %add3A_221 : i32 to index
      %swap3A_378 = arith.index_cast %multiple_of3A_376 : i32 to index
      %swap3A_379 = tpu.vector_load %arg6[%swap3A_377, %swap3A_378] {strides = array<i32>} : memref<50x1000xf32, #tpu.memory_space<vmem>>, vector<16xf32>,
      tpu.vector_store %arg6[%swap3A_377, %swap3A_378], %broadcast_in_dim3A_9 {strides = array<i32>} : memref<50x1000xf32, #tpu.memory_space<vmem>>, vector<16xf32>,
      %multiple_of3A_380 = arith.constant 512 : i32
      %multiple_of3A_381 = tpu.assume_multiple %multiple_of3A_380, 16 : i32
      %swap3A_382 = arith.index_cast %add3A_221 : i32 to index
      %swap3A_383 = arith.index_cast %multiple_of3A_381 : i32 to index
      %swap3A_384 = tpu.vector_load %arg6[%swap3A_382, %swap3A_383] {strides = array<i32>} : memref<50x1000xf32, #tpu.memory_space<vmem>>, vector<16xf32>,
      tpu.vector_store %arg6[%swap3A_382, %swap3A_383], %broadcast_in_dim3A_9 {strides = array<i32>} : memref<50x1000xf32, #tpu.memory_space<vmem>>, vector<16xf32>,
      %multiple_of3A_385 = arith.constant 528 : i32
      %multiple_of3A_386 = tpu.assume_multiple %multiple_of3A_385, 16 : i32
      %swap3A_387 = arith.index_cast %add3A_221 : i32 to index
      %swap3A_388 = arith.index_cast %multiple_of3A_386 : i32 to index
      %swap3A_389 = tpu.vector_load %arg6[%swap3A_387, %swap3A_388] {strides = array<i32>} : memref<50x1000xf32, #tpu.memory_space<vmem>>, vector<16xf32>,
      tpu.vector_store %arg6[%swap3A_387, %swap3A_388], %broadcast_in_dim3A_9 {strides = array<i32>} : memref<50x1000xf32, #tpu.memory_space<vmem>>, vector<16xf32>,
      %multiple_of3A_390 = arith.constant 544 : i32
      %multiple_of3A_391 = tpu.assume_multiple %multiple_of3A_390, 16 : i32
      %swap3A_392 = arith.index_cast %add3A_221 : i32 to index
      %swap3A_393 = arith.index_cast %multiple_of3A_391 : i32 to index
      %swap3A_394 = tpu.vector_load %arg6[%swap3A_392, %swap3A_393] {strides = array<i32>} : memref<50x1000xf32, #tpu.memory_space<vmem>>, vector<16xf32>,
      tpu.vector_store %arg6[%swap3A_392, %swap3A_393], %broadcast_in_dim3A_9 {strides = array<i32>} : memref<50x1000xf32, #tpu.memory_space<vmem>>, vector<16xf32>,
      %multiple_of3A_395 = arith.constant 560 : i32
      %multiple_of3A_396 = tpu.assume_multiple %multiple_of3A_395, 16 : i32
      %swap3A_397 = arith.index_cast %add3A_221 : i32 to index
      %swap3A_398 = arith.index_cast %multiple_of3A_396 : i32 to index
      %swap3A_399 = tpu.vector_load %arg6[%swap3A_397, %swap3A_398] {strides = array<i32>} : memref<50x1000xf32, #tpu.memory_space<vmem>>, vector<16xf32>,
      tpu.vector_store %arg6[%swap3A_397, %swap3A_398], %broadcast_in_dim3A_9 {strides = array<i32>} : memref<50x1000xf32, #tpu.memory_space<vmem>>, vector<16xf32>,
      %multiple_of3A_400 = arith.constant 576 : i32
      %multiple_of3A_401 = tpu.assume_multiple %multiple_of3A_400, 16 : i32
      %swap3A_402 = arith.index_cast %add3A_221 : i32 to index
      %swap3A_403 = arith.index_cast %multiple_of3A_401 : i32 to index
      %swap3A_404 = tpu.vector_load %arg6[%swap3A_402, %swap3A_403] {strides = array<i32>} : memref<50x1000xf32, #tpu.memory_space<vmem>>, vector<16xf32>,
      tpu.vector_store %arg6[%swap3A_402, %swap3A_403], %broadcast_in_dim3A_9 {strides = array<i32>} : memref<50x1000xf32, #tpu.memory_space<vmem>>, vector<16xf32>,
      %multiple_of3A_405 = arith.constant 592 : i32
      %multiple_of3A_406 = tpu.assume_multiple %multiple_of3A_405, 16 : i32
      %swap3A_407 = arith.index_cast %add3A_221 : i32 to index
      %swap3A_408 = arith.index_cast %multiple_of3A_406 : i32 to index
      %swap3A_409 = tpu.vector_load %arg6[%swap3A_407, %swap3A_408] {strides = array<i32>} : memref<50x1000xf32, #tpu.memory_space<vmem>>, vector<16xf32>,
      tpu.vector_store %arg6[%swap3A_407, %swap3A_408], %broadcast_in_dim3A_9 {strides = array<i32>} : memref<50x1000xf32, #tpu.memory_space<vmem>>, vector<16xf32>,
      %multiple_of3A_410 = arith.constant 608 : i32
      %multiple_of3A_411 = tpu.assume_multiple %multiple_of3A_410, 16 : i32
      %swap3A_412 = arith.index_cast %add3A_221 : i32 to index
      %swap3A_413 = arith.index_cast %multiple_of3A_411 : i32 to index
      %swap3A_414 = tpu.vector_load %arg6[%swap3A_412, %swap3A_413] {strides = array<i32>} : memref<50x1000xf32, #tpu.memory_space<vmem>>, vector<16xf32>,
      tpu.vector_store %arg6[%swap3A_412, %swap3A_413], %broadcast_in_dim3A_9 {strides = array<i32>} : memref<50x1000xf32, #tpu.memory_space<vmem>>, vector<16xf32>,
      %multiple_of3A_415 = arith.constant 624 : i32
      %multiple_of3A_416 = tpu.assume_multiple %multiple_of3A_415, 16 : i32
      %swap3A_417 = arith.index_cast %add3A_221 : i32 to index
      %swap3A_418 = arith.index_cast %multiple_of3A_416 : i32 to index
      %swap3A_419 = tpu.vector_load %arg6[%swap3A_417, %swap3A_418] {strides = array<i32>} : memref<50x1000xf32, #tpu.memory_space<vmem>>, vector<16xf32>,
      tpu.vector_store %arg6[%swap3A_417, %swap3A_418], %broadcast_in_dim3A_9 {strides = array<i32>} : memref<50x1000xf32, #tpu.memory_space<vmem>>, vector<16xf32>,
      %multiple_of3A_420 = arith.constant 640 : i32
      %multiple_of3A_421 = tpu.assume_multiple %multiple_of3A_420, 16 : i32
      %swap3A_422 = arith.index_cast %add3A_221 : i32 to index
      %swap3A_423 = arith.index_cast %multiple_of3A_421 : i32 to index
      %swap3A_424 = tpu.vector_load %arg6[%swap3A_422, %swap3A_423] {strides = array<i32>} : memref<50x1000xf32, #tpu.memory_space<vmem>>, vector<16xf32>,
      tpu.vector_store %arg6[%swap3A_422, %swap3A_423], %broadcast_in_dim3A_9 {strides = array<i32>} : memref<50x1000xf32, #tpu.memory_space<vmem>>, vector<16xf32>,
      %multiple_of3A_425 = arith.constant 656 : i32
      %multiple_of3A_426 = tpu.assume_multiple %multiple_of3A_425, 16 : i32
      %swap3A_427 = arith.index_cast %add3A_221 : i32 to index
      %swap3A_428 = arith.index_cast %multiple_of3A_426 : i32 to index
      %swap3A_429 = tpu.vector_load %arg6[%swap3A_427, %swap3A_428] {strides = array<i32>} : memref<50x1000xf32, #tpu.memory_space<vmem>>, vector<16xf32>,
      tpu.vector_store %arg6[%swap3A_427, %swap3A_428], %broadcast_in_dim3A_9 {strides = array<i32>} : memref<50x1000xf32, #tpu.memory_space<vmem>>, vector<16xf32>,
      %multiple_of3A_430 = arith.constant 672 : i32
      %multiple_of3A_431 = tpu.assume_multiple %multiple_of3A_430, 16 : i32
      %swap3A_432 = arith.index_cast %add3A_221 : i32 to index
      %swap3A_433 = arith.index_cast %multiple_of3A_431 : i32 to index
      %swap3A_434 = tpu.vector_load %arg6[%swap3A_432, %swap3A_433] {strides = array<i32>} : memref<50x1000xf32, #tpu.memory_space<vmem>>, vector<16xf32>,
      tpu.vector_store %arg6[%swap3A_432, %swap3A_433], %broadcast_in_dim3A_9 {strides = array<i32>} : memref<50x1000xf32, #tpu.memory_space<vmem>>, vector<16xf32>,
      %multiple_of3A_435 = arith.constant 688 : i32
      %multiple_of3A_436 = tpu.assume_multiple %multiple_of3A_435, 16 : i32
      %swap3A_437 = arith.index_cast %add3A_221 : i32 to index
      %swap3A_438 = arith.index_cast %multiple_of3A_436 : i32 to index
      %swap3A_439 = tpu.vector_load %arg6[%swap3A_437, %swap3A_438] {strides = array<i32>} : memref<50x1000xf32, #tpu.memory_space<vmem>>, vector<16xf32>,
      tpu.vector_store %arg6[%swap3A_437, %swap3A_438], %broadcast_in_dim3A_9 {strides = array<i32>} : memref<50x1000xf32, #tpu.memory_space<vmem>>, vector<16xf32>,
      %multiple_of3A_440 = arith.constant 704 : i32
      %multiple_of3A_441 = tpu.assume_multiple %multiple_of3A_440, 16 : i32
      %swap3A_442 = arith.index_cast %add3A_221 : i32 to index
      %swap3A_443 = arith.index_cast %multiple_of3A_441 : i32 to index
      %swap3A_444 = tpu.vector_load %arg6[%swap3A_442, %swap3A_443] {strides = array<i32>} : memref<50x1000xf32, #tpu.memory_space<vmem>>, vector<16xf32>,
      tpu.vector_store %arg6[%swap3A_442, %swap3A_443], %broadcast_in_dim3A_9 {strides = array<i32>} : memref<50x1000xf32, #tpu.memory_space<vmem>>, vector<16xf32>,
      %multiple_of3A_445 = arith.constant 720 : i32
      %multiple_of3A_446 = tpu.assume_multiple %multiple_of3A_445, 16 : i32
      %swap3A_447 = arith.index_cast %add3A_221 : i32 to index
      %swap3A_448 = arith.index_cast %multiple_of3A_446 : i32 to index
      %swap3A_449 = tpu.vector_load %arg6[%swap3A_447, %swap3A_448] {strides = array<i32>} : memref<50x1000xf32, #tpu.memory_space<vmem>>, vector<16xf32>,
      tpu.vector_store %arg6[%swap3A_447, %swap3A_448], %broadcast_in_dim3A_9 {strides = array<i32>} : memref<50x1000xf32, #tpu.memory_space<vmem>>, vector<16xf32>,
      %multiple_of3A_450 = arith.constant 736 : i32
      %multiple_of3A_451 = tpu.assume_multiple %multiple_of3A_450, 16 : i32
      %swap3A_452 = arith.index_cast %add3A_221 : i32 to index
      %swap3A_453 = arith.index_cast %multiple_of3A_451 : i32 to index
      %swap3A_454 = tpu.vector_load %arg6[%swap3A_452, %swap3A_453] {strides = array<i32>} : memref<50x1000xf32, #tpu.memory_space<vmem>>, vector<16xf32>,
      tpu.vector_store %arg6[%swap3A_452, %swap3A_453], %broadcast_in_dim3A_9 {strides = array<i32>} : memref<50x1000xf32, #tpu.memory_space<vmem>>, vector<16xf32>,
      %multiple_of3A_455 = arith.constant 752 : i32
      %multiple_of3A_456 = tpu.assume_multiple %multiple_of3A_455, 16 : i32
      %swap3A_457 = arith.index_cast %add3A_221 : i32 to index
      %swap3A_458 = arith.index_cast %multiple_of3A_456 : i32 to index
      %swap3A_459 = tpu.vector_load %arg6[%swap3A_457, %swap3A_458] {strides = array<i32>} : memref<50x1000xf32, #tpu.memory_space<vmem>>, vector<16xf32>,
      tpu.vector_store %arg6[%swap3A_457, %swap3A_458], %broadcast_in_dim3A_9 {strides = array<i32>} : memref<50x1000xf32, #tpu.memory_space<vmem>>, vector<16xf32>,
      %multiple_of3A_460 = arith.constant 768 : i32
      %multiple_of3A_461 = tpu.assume_multiple %multiple_of3A_460, 16 : i32
      %swap3A_462 = arith.index_cast %add3A_221 : i32 to index
      %swap3A_463 = arith.index_cast %multiple_of3A_461 : i32 to index
      %swap3A_464 = tpu.vector_load %arg6[%swap3A_462, %swap3A_463] {strides = array<i32>} : memref<50x1000xf32, #tpu.memory_space<vmem>>, vector<16xf32>,
      tpu.vector_store %arg6[%swap3A_462, %swap3A_463], %broadcast_in_dim3A_9 {strides = array<i32>} : memref<50x1000xf32, #tpu.memory_space<vmem>>, vector<16xf32>,
      %multiple_of3A_465 = arith.constant 784 : i32
      %multiple_of3A_466 = tpu.assume_multiple %multiple_of3A_465, 16 : i32
      %swap3A_467 = arith.index_cast %add3A_221 : i32 to index
      %swap3A_468 = arith.index_cast %multiple_of3A_466 : i32 to index
      %swap3A_469 = tpu.vector_load %arg6[%swap3A_467, %swap3A_468] {strides = array<i32>} : memref<50x1000xf32, #tpu.memory_space<vmem>>, vector<16xf32>,
      tpu.vector_store %arg6[%swap3A_467, %swap3A_468], %broadcast_in_dim3A_9 {strides = array<i32>} : memref<50x1000xf32, #tpu.memory_space<vmem>>, vector<16xf32>,
      %multiple_of3A_470 = arith.constant 800 : i32
      %multiple_of3A_471 = tpu.assume_multiple %multiple_of3A_470, 16 : i32
      %swap3A_472 = arith.index_cast %add3A_221 : i32 to index
      %swap3A_473 = arith.index_cast %multiple_of3A_471 : i32 to index
      %swap3A_474 = tpu.vector_load %arg6[%swap3A_472, %swap3A_473] {strides = array<i32>} : memref<50x1000xf32, #tpu.memory_space<vmem>>, vector<16xf32>,
      tpu.vector_store %arg6[%swap3A_472, %swap3A_473], %broadcast_in_dim3A_9 {strides = array<i32>} : memref<50x1000xf32, #tpu.memory_space<vmem>>, vector<16xf32>,
      %multiple_of3A_475 = arith.constant 816 : i32
      %multiple_of3A_476 = tpu.assume_multiple %multiple_of3A_475, 16 : i32
      %swap3A_477 = arith.index_cast %add3A_221 : i32 to index
      %swap3A_478 = arith.index_cast %multiple_of3A_476 : i32 to index
      %swap3A_479 = tpu.vector_load %arg6[%swap3A_477, %swap3A_478] {strides = array<i32>} : memref<50x1000xf32, #tpu.memory_space<vmem>>, vector<16xf32>,
      tpu.vector_store %arg6[%swap3A_477, %swap3A_478], %broadcast_in_dim3A_9 {strides = array<i32>} : memref<50x1000xf32, #tpu.memory_space<vmem>>, vector<16xf32>,
      %multiple_of3A_480 = arith.constant 832 : i32
      %multiple_of3A_481 = tpu.assume_multiple %multiple_of3A_480, 16 : i32
      %swap3A_482 = arith.index_cast %add3A_221 : i32 to index
      %swap3A_483 = arith.index_cast %multiple_of3A_481 : i32 to index
      %swap3A_484 = tpu.vector_load %arg6[%swap3A_482, %swap3A_483] {strides = array<i32>} : memref<50x1000xf32, #tpu.memory_space<vmem>>, vector<16xf32>,
      tpu.vector_store %arg6[%swap3A_482, %swap3A_483], %broadcast_in_dim3A_9 {strides = array<i32>} : memref<50x1000xf32, #tpu.memory_space<vmem>>, vector<16xf32>,
      %multiple_of3A_485 = arith.constant 848 : i32
      %multiple_of3A_486 = tpu.assume_multiple %multiple_of3A_485, 16 : i32
      %swap3A_487 = arith.index_cast %add3A_221 : i32 to index
      %swap3A_488 = arith.index_cast %multiple_of3A_486 : i32 to index
      %swap3A_489 = tpu.vector_load %arg6[%swap3A_487, %swap3A_488] {strides = array<i32>} : memref<50x1000xf32, #tpu.memory_space<vmem>>, vector<16xf32>,
      tpu.vector_store %arg6[%swap3A_487, %swap3A_488], %broadcast_in_dim3A_9 {strides = array<i32>} : memref<50x1000xf32, #tpu.memory_space<vmem>>, vector<16xf32>,
      %multiple_of3A_490 = arith.constant 864 : i32
      %multiple_of3A_491 = tpu.assume_multiple %multiple_of3A_490, 16 : i32
      %swap3A_492 = arith.index_cast %add3A_221 : i32 to index
      %swap3A_493 = arith.index_cast %multiple_of3A_491 : i32 to index
      %swap3A_494 = tpu.vector_load %arg6[%swap3A_492, %swap3A_493] {strides = array<i32>} : memref<50x1000xf32, #tpu.memory_space<vmem>>, vector<16xf32>,
      tpu.vector_store %arg6[%swap3A_492, %swap3A_493], %broadcast_in_dim3A_9 {strides = array<i32>} : memref<50x1000xf32, #tpu.memory_space<vmem>>, vector<16xf32>,
      %multiple_of3A_495 = arith.constant 880 : i32
      %multiple_of3A_496 = tpu.assume_multiple %multiple_of3A_495, 16 : i32
      %swap3A_497 = arith.index_cast %add3A_221 : i32 to index
      %swap3A_498 = arith.index_cast %multiple_of3A_496 : i32 to index
      %swap3A_499 = tpu.vector_load %arg6[%swap3A_497, %swap3A_498] {strides = array<i32>} : memref<50x1000xf32, #tpu.memory_space<vmem>>, vector<16xf32>,
      tpu.vector_store %arg6[%swap3A_497, %swap3A_498], %broadcast_in_dim3A_9 {strides = array<i32>} : memref<50x1000xf32, #tpu.memory_space<vmem>>, vector<16xf32>,
      %multiple_of3A_500 = arith.constant 896 : i32
      %multiple_of3A_501 = tpu.assume_multiple %multiple_of3A_500, 16 : i32
      %swap3A_502 = arith.index_cast %add3A_221 : i32 to index
      %swap3A_503 = arith.index_cast %multiple_of3A_501 : i32 to index
      %swap3A_504 = tpu.vector_load %arg6[%swap3A_502, %swap3A_503] {strides = array<i32>} : memref<50x1000xf32, #tpu.memory_space<vmem>>, vector<16xf32>,
      tpu.vector_store %arg6[%swap3A_502, %swap3A_503], %broadcast_in_dim3A_9 {strides = array<i32>} : memref<50x1000xf32, #tpu.memory_space<vmem>>, vector<16xf32>,
      %multiple_of3A_505 = arith.constant 912 : i32
      %multiple_of3A_506 = tpu.assume_multiple %multiple_of3A_505, 16 : i32
      %swap3A_507 = arith.index_cast %add3A_221 : i32 to index
      %swap3A_508 = arith.index_cast %multiple_of3A_506 : i32 to index
      %swap3A_509 = tpu.vector_load %arg6[%swap3A_507, %swap3A_508] {strides = array<i32>} : memref<50x1000xf32, #tpu.memory_space<vmem>>, vector<16xf32>,
      tpu.vector_store %arg6[%swap3A_507, %swap3A_508], %broadcast_in_dim3A_9 {strides = array<i32>} : memref<50x1000xf32, #tpu.memory_space<vmem>>, vector<16xf32>,
      %multiple_of3A_510 = arith.constant 928 : i32
      %multiple_of3A_511 = tpu.assume_multiple %multiple_of3A_510, 16 : i32
      %swap3A_512 = arith.index_cast %add3A_221 : i32 to index
      %swap3A_513 = arith.index_cast %multiple_of3A_511 : i32 to index
      %swap3A_514 = tpu.vector_load %arg6[%swap3A_512, %swap3A_513] {strides = array<i32>} : memref<50x1000xf32, #tpu.memory_space<vmem>>, vector<16xf32>,
      tpu.vector_store %arg6[%swap3A_512, %swap3A_513], %broadcast_in_dim3A_9 {strides = array<i32>} : memref<50x1000xf32, #tpu.memory_space<vmem>>, vector<16xf32>,
      %multiple_of3A_515 = arith.constant 944 : i32
      %multiple_of3A_516 = tpu.assume_multiple %multiple_of3A_515, 16 : i32
      %swap3A_517 = arith.index_cast %add3A_221 : i32 to index
      %swap3A_518 = arith.index_cast %multiple_of3A_516 : i32 to index
      %swap3A_519 = tpu.vector_load %arg6[%swap3A_517, %swap3A_518] {strides = array<i32>} : memref<50x1000xf32, #tpu.memory_space<vmem>>, vector<16xf32>,
      tpu.vector_store %arg6[%swap3A_517, %swap3A_518], %broadcast_in_dim3A_9 {strides = array<i32>} : memref<50x1000xf32, #tpu.memory_space<vmem>>, vector<16xf32>,
      %multiple_of3A_520 = arith.constant 960 : i32
      %multiple_of3A_521 = tpu.assume_multiple %multiple_of3A_520, 16 : i32
      %swap3A_522 = arith.index_cast %add3A_221 : i32 to index
      %swap3A_523 = arith.index_cast %multiple_of3A_521 : i32 to index
      %swap3A_524 = tpu.vector_load %arg6[%swap3A_522, %swap3A_523] {strides = array<i32>} : memref<50x1000xf32, #tpu.memory_space<vmem>>, vector<16xf32>,
      tpu.vector_store %arg6[%swap3A_522, %swap3A_523], %broadcast_in_dim3A_9 {strides = array<i32>} : memref<50x1000xf32, #tpu.memory_space<vmem>>, vector<16xf32>,
      %multiple_of3A_525 = arith.constant 976 : i32
      %multiple_of3A_526 = tpu.assume_multiple %multiple_of3A_525, 16 : i32
      %swap3A_527 = arith.index_cast %add3A_221 : i32 to index
      %swap3A_528 = arith.index_cast %multiple_of3A_526 : i32 to index
      %swap3A_529 = tpu.vector_load %arg6[%swap3A_527, %swap3A_528] {strides = array<i32>} : memref<50x1000xf32, #tpu.memory_space<vmem>>, vector<16xf32>,
      tpu.vector_store %arg6[%swap3A_527, %swap3A_528], %broadcast_in_dim3A_9 {strides = array<i32>} : memref<50x1000xf32, #tpu.memory_space<vmem>>, vector<16xf32>,
    }
    %scan3A_107 = arith.constant 50 : i32
    %add3A_108 = arith.constant 0 : i32
    %add3A_109 = vector.broadcast %add3A_108 : i32 to vector<16xi32>
    %add3A_110 = arith.addi %iota3A, %add3A_109 : vector<16xi32>
    %lt3A_111 = arith.constant 50 : i32
    %lt3A_112 = vector.broadcast %lt3A_111 : i32 to vector<16xi32>
    %lt3A_113 = arith.cmpi slt, %add3A_110, %lt3A_112 : vector<16xi32>
    %broadcast_in_dim3A_114 = arith.constant 992 : i32
    %broadcast_in_dim3A_115 = vector.broadcast %broadcast_in_dim3A_114 : i32 to vector<16xi32>
    tpu.vector_store_idx %arg6[%add3A_110, %broadcast_in_dim3A_115], %broadcast_in_dim3A_9 masked %lt3A_113 : memref<50x1000xf32, #tpu.memory_space<vmem>>[vector<16xi32>, vector<16xi32>], vector<16xf32>, vector<16xi1>
    %broadcast_in_dim3A_116 = arith.constant 993 : i32
    %broadcast_in_dim3A_117 = vector.broadcast %broadcast_in_dim3A_116 : i32 to vector<16xi32>
    tpu.vector_store_idx %arg6[%add3A_110, %broadcast_in_dim3A_117], %broadcast_in_dim3A_9 masked %lt3A_113 : memref<50x1000xf32, #tpu.memory_space<vmem>>[vector<16xi32>, vector<16xi32>], vector<16xf32>, vector<16xi1>
    %broadcast_in_dim3A_118 = arith.constant 994 : i32
    %broadcast_in_dim3A_119 = vector.broadcast %broadcast_in_dim3A_118 : i32 to vector<16xi32>
    tpu.vector_store_idx %arg6[%add3A_110, %broadcast_in_dim3A_119], %broadcast_in_dim3A_9 masked %lt3A_113 : memref<50x1000xf32, #tpu.memory_space<vmem>>[vector<16xi32>, vector<16xi32>], vector<16xf32>, vector<16xi1>
    %broadcast_in_dim3A_120 = arith.constant 995 : i32
    %broadcast_in_dim3A_121 = vector.broadcast %broadcast_in_dim3A_120 : i32 to vector<16xi32>
    tpu.vector_store_idx %arg6[%add3A_110, %broadcast_in_dim3A_121], %broadcast_in_dim3A_9 masked %lt3A_113 : memref<50x1000xf32, #tpu.memory_space<vmem>>[vector<16xi32>, vector<16xi32>], vector<16xf32>, vector<16xi1>
    %broadcast_in_dim3A_122 = arith.constant 996 : i32
    %broadcast_in_dim3A_123 = vector.broadcast %broadcast_in_dim3A_122 : i32 to vector<16xi32>
    tpu.vector_store_idx %arg6[%add3A_110, %broadcast_in_dim3A_123], %broadcast_in_dim3A_9 masked %lt3A_113 : memref<50x1000xf32, #tpu.memory_space<vmem>>[vector<16xi32>, vector<16xi32>], vector<16xf32>, vector<16xi1>
    %broadcast_in_dim3A_124 = arith.constant 997 : i32
    %broadcast_in_dim3A_125 = vector.broadcast %broadcast_in_dim3A_124 : i32 to vector<16xi32>
    tpu.vector_store_idx %arg6[%add3A_110, %broadcast_in_dim3A_125], %broadcast_in_dim3A_9 masked %lt3A_113 : memref<50x1000xf32, #tpu.memory_space<vmem>>[vector<16xi32>, vector<16xi32>], vector<16xf32>, vector<16xi1>
    %broadcast_in_dim3A_126 = arith.constant 998 : i32
    %broadcast_in_dim3A_127 = vector.broadcast %broadcast_in_dim3A_126 : i32 to vector<16xi32>
    tpu.vector_store_idx %arg6[%add3A_110, %broadcast_in_dim3A_127], %broadcast_in_dim3A_9 masked %lt3A_113 : memref<50x1000xf32, #tpu.memory_space<vmem>>[vector<16xi32>, vector<16xi32>], vector<16xf32>, vector<16xi1>
    %broadcast_in_dim3A_128 = arith.constant 999 : i32
    %broadcast_in_dim3A_129 = vector.broadcast %broadcast_in_dim3A_128 : i32 to vector<16xi32>
    tpu.vector_store_idx %arg6[%add3A_110, %broadcast_in_dim3A_129], %broadcast_in_dim3A_9 masked %lt3A_113 : memref<50x1000xf32, #tpu.memory_space<vmem>>[vector<16xi32>, vector<16xi32>], vector<16xf32>, vector<16xi1>
    %add3A_130 = arith.constant 16 : i32
    %add3A_131 = vector.broadcast %add3A_130 : i32 to vector<16xi32>
    %add3A_132 = arith.addi %iota3A, %add3A_131 : vector<16xi32>
    %lt3A_133 = arith.constant 50 : i32
    %lt3A_134 = vector.broadcast %lt3A_133 : i32 to vector<16xi32>
    %lt3A_135 = arith.cmpi slt, %add3A_132, %lt3A_134 : vector<16xi32>
    %broadcast_in_dim3A_136 = arith.constant 992 : i32
    %broadcast_in_dim3A_137 = vector.broadcast %broadcast_in_dim3A_136 : i32 to vector<16xi32>
    tpu.vector_store_idx %arg6[%add3A_132, %broadcast_in_dim3A_137], %broadcast_in_dim3A_9 masked %lt3A_135 : memref<50x1000xf32, #tpu.memory_space<vmem>>[vector<16xi32>, vector<16xi32>], vector<16xf32>, vector<16xi1>
    %broadcast_in_dim3A_138 = arith.constant 993 : i32
    %broadcast_in_dim3A_139 = vector.broadcast %broadcast_in_dim3A_138 : i32 to vector<16xi32>
    tpu.vector_store_idx %arg6[%add3A_132, %broadcast_in_dim3A_139], %broadcast_in_dim3A_9 masked %lt3A_135 : memref<50x1000xf32, #tpu.memory_space<vmem>>[vector<16xi32>, vector<16xi32>], vector<16xf32>, vector<16xi1>
    %broadcast_in_dim3A_140 = arith.constant 994 : i32
    %broadcast_in_dim3A_141 = vector.broadcast %broadcast_in_dim3A_140 : i32 to vector<16xi32>
    tpu.vector_store_idx %arg6[%add3A_132, %broadcast_in_dim3A_141], %broadcast_in_dim3A_9 masked %lt3A_135 : memref<50x1000xf32, #tpu.memory_space<vmem>>[vector<16xi32>, vector<16xi32>], vector<16xf32>, vector<16xi1>
    %broadcast_in_dim3A_142 = arith.constant 995 : i32
    %broadcast_in_dim3A_143 = vector.broadcast %broadcast_in_dim3A_142 : i32 to vector<16xi32>
    tpu.vector_store_idx %arg6[%add3A_132, %broadcast_in_dim3A_143], %broadcast_in_dim3A_9 masked %lt3A_135 : memref<50x1000xf32, #tpu.memory_space<vmem>>[vector<16xi32>, vector<16xi32>], vector<16xf32>, vector<16xi1>
    %broadcast_in_dim3A_144 = arith.constant 996 : i32
    %broadcast_in_dim3A_145 = vector.broadcast %broadcast_in_dim3A_144 : i32 to vector<16xi32>
    tpu.vector_store_idx %arg6[%add3A_132, %broadcast_in_dim3A_145], %broadcast_in_dim3A_9 masked %lt3A_135 : memref<50x1000xf32, #tpu.memory_space<vmem>>[vector<16xi32>, vector<16xi32>], vector<16xf32>, vector<16xi1>
    %broadcast_in_dim3A_146 = arith.constant 997 : i32
    %broadcast_in_dim3A_147 = vector.broadcast %broadcast_in_dim3A_146 : i32 to vector<16xi32>
    tpu.vector_store_idx %arg6[%add3A_132, %broadcast_in_dim3A_147], %broadcast_in_dim3A_9 masked %lt3A_135 : memref<50x1000xf32, #tpu.memory_space<vmem>>[vector<16xi32>, vector<16xi32>], vector<16xf32>, vector<16xi1>
    %broadcast_in_dim3A_148 = arith.constant 998 : i32
    %broadcast_in_dim3A_149 = vector.broadcast %broadcast_in_dim3A_148 : i32 to vector<16xi32>
    tpu.vector_store_idx %arg6[%add3A_132, %broadcast_in_dim3A_149], %broadcast_in_dim3A_9 masked %lt3A_135 : memref<50x1000xf32, #tpu.memory_space<vmem>>[vector<16xi32>, vector<16xi32>], vector<16xf32>, vector<16xi1>
    %broadcast_in_dim3A_150 = arith.constant 999 : i32
    %broadcast_in_dim3A_151 = vector.broadcast %broadcast_in_dim3A_150 : i32 to vector<16xi32>
    tpu.vector_store_idx %arg6[%add3A_132, %broadcast_in_dim3A_151], %broadcast_in_dim3A_9 masked %lt3A_135 : memref<50x1000xf32, #tpu.memory_space<vmem>>[vector<16xi32>, vector<16xi32>], vector<16xf32>, vector<16xi1>
    %add3A_152 = arith.constant 32 : i32
    %add3A_153 = vector.broadcast %add3A_152 : i32 to vector<16xi32>
    %add3A_154 = arith.addi %iota3A, %add3A_153 : vector<16xi32>
    %lt3A_155 = arith.constant 50 : i32
    %lt3A_156 = vector.broadcast %lt3A_155 : i32 to vector<16xi32>
    %lt3A_157 = arith.cmpi slt, %add3A_154, %lt3A_156 : vector<16xi32>
    %broadcast_in_dim3A_158 = arith.constant 992 : i32
    %broadcast_in_dim3A_159 = vector.broadcast %broadcast_in_dim3A_158 : i32 to vector<16xi32>
    tpu.vector_store_idx %arg6[%add3A_154, %broadcast_in_dim3A_159], %broadcast_in_dim3A_9 masked %lt3A_157 : memref<50x1000xf32, #tpu.memory_space<vmem>>[vector<16xi32>, vector<16xi32>], vector<16xf32>, vector<16xi1>
    %broadcast_in_dim3A_160 = arith.constant 993 : i32
    %broadcast_in_dim3A_161 = vector.broadcast %broadcast_in_dim3A_160 : i32 to vector<16xi32>
    tpu.vector_store_idx %arg6[%add3A_154, %broadcast_in_dim3A_161], %broadcast_in_dim3A_9 masked %lt3A_157 : memref<50x1000xf32, #tpu.memory_space<vmem>>[vector<16xi32>, vector<16xi32>], vector<16xf32>, vector<16xi1>
    %broadcast_in_dim3A_162 = arith.constant 994 : i32
    %broadcast_in_dim3A_163 = vector.broadcast %broadcast_in_dim3A_162 : i32 to vector<16xi32>
    tpu.vector_store_idx %arg6[%add3A_154, %broadcast_in_dim3A_163], %broadcast_in_dim3A_9 masked %lt3A_157 : memref<50x1000xf32, #tpu.memory_space<vmem>>[vector<16xi32>, vector<16xi32>], vector<16xf32>, vector<16xi1>
    %broadcast_in_dim3A_164 = arith.constant 995 : i32
    %broadcast_in_dim3A_165 = vector.broadcast %broadcast_in_dim3A_164 : i32 to vector<16xi32>
    tpu.vector_store_idx %arg6[%add3A_154, %broadcast_in_dim3A_165], %broadcast_in_dim3A_9 masked %lt3A_157 : memref<50x1000xf32, #tpu.memory_space<vmem>>[vector<16xi32>, vector<16xi32>], vector<16xf32>, vector<16xi1>
    %broadcast_in_dim3A_166 = arith.constant 996 : i32
    %broadcast_in_dim3A_167 = vector.broadcast %broadcast_in_dim3A_166 : i32 to vector<16xi32>
    tpu.vector_store_idx %arg6[%add3A_154, %broadcast_in_dim3A_167], %broadcast_in_dim3A_9 masked %lt3A_157 : memref<50x1000xf32, #tpu.memory_space<vmem>>[vector<16xi32>, vector<16xi32>], vector<16xf32>, vector<16xi1>
    %broadcast_in_dim3A_168 = arith.constant 997 : i32
    %broadcast_in_dim3A_169 = vector.broadcast %broadcast_in_dim3A_168 : i32 to vector<16xi32>
    tpu.vector_store_idx %arg6[%add3A_154, %broadcast_in_dim3A_169], %broadcast_in_dim3A_9 masked %lt3A_157 : memref<50x1000xf32, #tpu.memory_space<vmem>>[vector<16xi32>, vector<16xi32>], vector<16xf32>, vector<16xi1>
    %broadcast_in_dim3A_170 = arith.constant 998 : i32
    %broadcast_in_dim3A_171 = vector.broadcast %broadcast_in_dim3A_170 : i32 to vector<16xi32>
    tpu.vector_store_idx %arg6[%add3A_154, %broadcast_in_dim3A_171], %broadcast_in_dim3A_9 masked %lt3A_157 : memref<50x1000xf32, #tpu.memory_space<vmem>>[vector<16xi32>, vector<16xi32>], vector<16xf32>, vector<16xi1>
    %broadcast_in_dim3A_172 = arith.constant 999 : i32
    %broadcast_in_dim3A_173 = vector.broadcast %broadcast_in_dim3A_172 : i32 to vector<16xi32>
    tpu.vector_store_idx %arg6[%add3A_154, %broadcast_in_dim3A_173], %broadcast_in_dim3A_9 masked %lt3A_157 : memref<50x1000xf32, #tpu.memory_space<vmem>>[vector<16xi32>, vector<16xi32>], vector<16xf32>, vector<16xi1>
    %add3A_174 = arith.constant 48 : i32
    %add3A_175 = vector.broadcast %add3A_174 : i32 to vector<16xi32>
    %add3A_176 = arith.addi %iota3A, %add3A_175 : vector<16xi32>
    %lt3A_177 = arith.constant 50 : i32
    %lt3A_178 = vector.broadcast %lt3A_177 : i32 to vector<16xi32>
    %lt3A_179 = arith.cmpi slt, %add3A_176, %lt3A_178 : vector<16xi32>
    %broadcast_in_dim3A_180 = arith.constant 992 : i32
    %broadcast_in_dim3A_181 = vector.broadcast %broadcast_in_dim3A_180 : i32 to vector<16xi32>
    tpu.vector_store_idx %arg6[%add3A_176, %broadcast_in_dim3A_181], %broadcast_in_dim3A_9 masked %lt3A_179 : memref<50x1000xf32, #tpu.memory_space<vmem>>[vector<16xi32>, vector<16xi32>], vector<16xf32>, vector<16xi1>
    %broadcast_in_dim3A_182 = arith.constant 993 : i32
    %broadcast_in_dim3A_183 = vector.broadcast %broadcast_in_dim3A_182 : i32 to vector<16xi32>
    tpu.vector_store_idx %arg6[%add3A_176, %broadcast_in_dim3A_183], %broadcast_in_dim3A_9 masked %lt3A_179 : memref<50x1000xf32, #tpu.memory_space<vmem>>[vector<16xi32>, vector<16xi32>], vector<16xf32>, vector<16xi1>
    %broadcast_in_dim3A_184 = arith.constant 994 : i32
    %broadcast_in_dim3A_185 = vector.broadcast %broadcast_in_dim3A_184 : i32 to vector<16xi32>
    tpu.vector_store_idx %arg6[%add3A_176, %broadcast_in_dim3A_185], %broadcast_in_dim3A_9 masked %lt3A_179 : memref<50x1000xf32, #tpu.memory_space<vmem>>[vector<16xi32>, vector<16xi32>], vector<16xf32>, vector<16xi1>
    %broadcast_in_dim3A_186 = arith.constant 995 : i32
    %broadcast_in_dim3A_187 = vector.broadcast %broadcast_in_dim3A_186 : i32 to vector<16xi32>
    tpu.vector_store_idx %arg6[%add3A_176, %broadcast_in_dim3A_187], %broadcast_in_dim3A_9 masked %lt3A_179 : memref<50x1000xf32, #tpu.memory_space<vmem>>[vector<16xi32>, vector<16xi32>], vector<16xf32>, vector<16xi1>
    %broadcast_in_dim3A_188 = arith.constant 996 : i32
    %broadcast_in_dim3A_189 = vector.broadcast %broadcast_in_dim3A_188 : i32 to vector<16xi32>
    tpu.vector_store_idx %arg6[%add3A_176, %broadcast_in_dim3A_189], %broadcast_in_dim3A_9 masked %lt3A_179 : memref<50x1000xf32, #tpu.memory_space<vmem>>[vector<16xi32>, vector<16xi32>], vector<16xf32>, vector<16xi1>
    %broadcast_in_dim3A_190 = arith.constant 997 : i32
    %broadcast_in_dim3A_191 = vector.broadcast %broadcast_in_dim3A_190 : i32 to vector<16xi32>
    tpu.vector_store_idx %arg6[%add3A_176, %broadcast_in_dim3A_191], %broadcast_in_dim3A_9 masked %lt3A_179 : memref<50x1000xf32, #tpu.memory_space<vmem>>[vector<16xi32>, vector<16xi32>], vector<16xf32>, vector<16xi1>
    %broadcast_in_dim3A_192 = arith.constant 998 : i32
    %broadcast_in_dim3A_193 = vector.broadcast %broadcast_in_dim3A_192 : i32 to vector<16xi32>
    tpu.vector_store_idx %arg6[%add3A_176, %broadcast_in_dim3A_193], %broadcast_in_dim3A_9 masked %lt3A_179 : memref<50x1000xf32, #tpu.memory_space<vmem>>[vector<16xi32>, vector<16xi32>], vector<16xf32>, vector<16xi1>
    %broadcast_in_dim3A_194 = arith.constant 999 : i32
    %broadcast_in_dim3A_195 = vector.broadcast %broadcast_in_dim3A_194 : i32 to vector<16xi32>
    tpu.vector_store_idx %arg6[%add3A_176, %broadcast_in_dim3A_195], %broadcast_in_dim3A_9 masked %lt3A_179 : memref<50x1000xf32, #tpu.memory_space<vmem>>[vector<16xi32>, vector<16xi32>], vector<16xf32>, vector<16xi1>
    %scan3A_196 = arith.constant 0 : i32
    %scan3A_197 = arith.constant 16 : i32
    %scan3A_198 = arith.addi %scan3A_196, %scan3A_197 : i32
    %scan3A_199 = arith.constant 1 : i32
    scf.for %scan3A_217 = %scan3A_196 to %scan3A_198 step %scan3A_199  : i32 {
      %mul3A_218 = arith.constant 1 : i32
      %mul3A_219 = arith.muli %scan3A_217, %mul3A_218 : i32
      %add3A_220 = arith.constant 0 : i32
      %add3A_221 = arith.addi %add3A_220, %mul3A_219 : i32
      %mul3A_222 = arith.constant 2 : i32
      %mul3A_223 = arith.muli %add3A_221, %mul3A_222 : i32
      %add3A_224 = arith.constant 0 : i32
      %add3A_225 = arith.addi %mul3A_223, %add3A_224 : i32
      %add3A_226 = arith.addi %mul3A_2, %add3A_225 : i32
      %gt3A = arith.constant 0 : i32
      %gt3A_227 = arith.cmpi sgt, %add3A_221, %gt3A : i32
      %convert_element_type3A = arith.extui %gt3A_227 : i1 to i32
      %cond3A = arith.constant 0 : i32
      %cond3A_228 = arith.cmpi ne, %convert_element_type3A, %cond3A : i32
      scf.if %cond3A_228 {
        %dma_wait3A_326 = arith.constant 0 : i32
        %dma_wait3A_327 = arith.constant 0 : i32
        %dma_wait3A_328 = tpu.memref_slice %arg3[%add3A_226, %dma_wait3A_326, %dma_wait3A_327] : memref<1024x50x1000xf32, #tpu.memory_space<hbm>> -> memref<1x50x1000xf32, #tpu.memory_space<hbm>>
        %dma_wait3A_329 = tpu.memref_squeeze %dma_wait3A_328 : memref<1x50x1000xf32, #tpu.memory_space<hbm>> -> memref<50x1000xf32, #tpu.memory_space<hbm>>
        %dma_wait3A_330 = arith.constant 0 : i32
        %dma_wait3A_331 = arith.constant 0 : i32
        %dma_wait3A_332 = tpu.memref_slice %arg3[%add3A_226, %dma_wait3A_330, %dma_wait3A_331] : memref<1024x50x1000xf32, #tpu.memory_space<hbm>> -> memref<1x50x1000xf32, #tpu.memory_space<hbm>>
        %dma_wait3A_333 = tpu.memref_squeeze %dma_wait3A_332 : memref<1x50x1000xf32, #tpu.memory_space<hbm>> -> memref<50x1000xf32, #tpu.memory_space<hbm>>
        tpu.wait_dma2 semaphore(%arg8 : memref<!tpu.dma_semaphore, #tpu.memory_space<semaphore_mem>>) src(%arg5 : memref<50x1000xf32, #tpu.memory_space<vmem>>) dst(%dma_wait3A_333 : memref<50x1000xf32, #tpu.memory_space<hbm>>)
        %sub3A = arith.constant 2 : i32
        %sub3A_334 = arith.subi %add3A_225, %sub3A : i32
        %get3A_335 = arith.index_cast %sub3A_334 : i32 to index
        %get3A_336 = arith.constant 0 : index
        %get3A_337 = tpu.vector_load %arg4[%get3A_335, %get3A_336] {strides = array<i32>} : memref<32x64xi32, #tpu.memory_space<vmem>>, vector<16xi32>,
        %add3A_338 = arith.constant 0 : i32
        %add3A_339 = vector.broadcast %add3A_338 : i32 to vector<16xi32>
        %add3A_340 = arith.addi %iota3A, %add3A_339 : vector<16xi32>
        %lt3A_341 = arith.constant 50 : i32
        %lt3A_342 = vector.broadcast %lt3A_341 : i32 to vector<16xi32>
        %lt3A_343 = arith.cmpi slt, %add3A_340, %lt3A_342 : vector<16xi32>
        tpu.vector_store_idx %arg5[%add3A_340, %get3A_337], %broadcast_in_dim3A_9 masked %lt3A_343 : memref<50x1000xf32, #tpu.memory_space<vmem>>[vector<16xi32>, vector<16xi32>], vector<16xf32>, vector<16xi1>
        %get3A_344 = arith.index_cast %sub3A_334 : i32 to index
        %get3A_345 = arith.constant 16 : index
        %get3A_346 = tpu.vector_load %arg4[%get3A_344, %get3A_345] {strides = array<i32>} : memref<32x64xi32, #tpu.memory_space<vmem>>, vector<16xi32>,
        %add3A_347 = arith.constant 16 : i32
        %add3A_348 = vector.broadcast %add3A_347 : i32 to vector<16xi32>
        %add3A_349 = arith.addi %iota3A, %add3A_348 : vector<16xi32>
        %lt3A_350 = arith.constant 50 : i32
        %lt3A_351 = vector.broadcast %lt3A_350 : i32 to vector<16xi32>
        %lt3A_352 = arith.cmpi slt, %add3A_349, %lt3A_351 : vector<16xi32>
        tpu.vector_store_idx %arg5[%add3A_349, %get3A_346], %broadcast_in_dim3A_9 masked %lt3A_352 : memref<50x1000xf32, #tpu.memory_space<vmem>>[vector<16xi32>, vector<16xi32>], vector<16xf32>, vector<16xi1>
        %get3A_353 = arith.index_cast %sub3A_334 : i32 to index
        %get3A_354 = arith.constant 32 : index
        %get3A_355 = tpu.vector_load %arg4[%get3A_353, %get3A_354] {strides = array<i32>} : memref<32x64xi32, #tpu.memory_space<vmem>>, vector<16xi32>,
        %add3A_356 = arith.constant 32 : i32
        %add3A_357 = vector.broadcast %add3A_356 : i32 to vector<16xi32>
        %add3A_358 = arith.addi %iota3A, %add3A_357 : vector<16xi32>
        %lt3A_359 = arith.constant 50 : i32
        %lt3A_360 = vector.broadcast %lt3A_359 : i32 to vector<16xi32>
        %lt3A_361 = arith.cmpi slt, %add3A_358, %lt3A_360 : vector<16xi32>
        tpu.vector_store_idx %arg5[%add3A_358, %get3A_355], %broadcast_in_dim3A_9 masked %lt3A_361 : memref<50x1000xf32, #tpu.memory_space<vmem>>[vector<16xi32>, vector<16xi32>], vector<16xf32>, vector<16xi1>
        %get3A_362 = arith.index_cast %sub3A_334 : i32 to index
        %get3A_363 = arith.constant 48 : index
        %get3A_364 = tpu.vector_load %arg4[%get3A_362, %get3A_363] {strides = array<i32>} : memref<32x64xi32, #tpu.memory_space<vmem>>, vector<16xi32>,
        %add3A_365 = arith.constant 48 : i32
        %add3A_366 = vector.broadcast %add3A_365 : i32 to vector<16xi32>
        %add3A_367 = arith.addi %iota3A, %add3A_366 : vector<16xi32>
        %lt3A_368 = arith.constant 50 : i32
        %lt3A_369 = vector.broadcast %lt3A_368 : i32 to vector<16xi32>
        %lt3A_370 = arith.cmpi slt, %add3A_367, %lt3A_369 : vector<16xi32>
        tpu.vector_store_idx %arg5[%add3A_367, %get3A_364], %broadcast_in_dim3A_9 masked %lt3A_370 : memref<50x1000xf32, #tpu.memory_space<vmem>>[vector<16xi32>, vector<16xi32>], vector<16xf32>, vector<16xi1>
      } else {
      }
      %get3A = arith.index_cast %add3A_225 : i32 to index
      %get3A_229 = arith.constant 0 : index
      %get3A_230 = tpu.vector_load %arg4[%get3A, %get3A_229] {strides = array<i32>} : memref<32x64xi32, #tpu.memory_space<vmem>>, vector<16xi32>,
      %add3A_231 = arith.constant 0 : i32
      %add3A_232 = vector.broadcast %add3A_231 : i32 to vector<16xi32>
      %add3A_233 = arith.addi %iota3A, %add3A_232 : vector<16xi32>
      %lt3A_234 = arith.constant 50 : i32
      %lt3A_235 = vector.broadcast %lt3A_234 : i32 to vector<16xi32>
      %lt3A_236 = arith.cmpi slt, %add3A_233, %lt3A_235 : vector<16xi32>
      tpu.vector_store_idx %arg5[%add3A_233, %get3A_230], %broadcast_in_dim3A_11 masked %lt3A_236 : memref<50x1000xf32, #tpu.memory_space<vmem>>[vector<16xi32>, vector<16xi32>], vector<16xf32>, vector<16xi1>
      %get3A_237 = arith.index_cast %add3A_225 : i32 to index
      %get3A_238 = arith.constant 16 : index
      %get3A_239 = tpu.vector_load %arg4[%get3A_237, %get3A_238] {strides = array<i32>} : memref<32x64xi32, #tpu.memory_space<vmem>>, vector<16xi32>,
      %add3A_240 = arith.constant 16 : i32
      %add3A_241 = vector.broadcast %add3A_240 : i32 to vector<16xi32>
      %add3A_242 = arith.addi %iota3A, %add3A_241 : vector<16xi32>
      %lt3A_243 = arith.constant 50 : i32
      %lt3A_244 = vector.broadcast %lt3A_243 : i32 to vector<16xi32>
      %lt3A_245 = arith.cmpi slt, %add3A_242, %lt3A_244 : vector<16xi32>
      tpu.vector_store_idx %arg5[%add3A_242, %get3A_239], %broadcast_in_dim3A_11 masked %lt3A_245 : memref<50x1000xf32, #tpu.memory_space<vmem>>[vector<16xi32>, vector<16xi32>], vector<16xf32>, vector<16xi1>
      %get3A_246 = arith.index_cast %add3A_225 : i32 to index
      %get3A_247 = arith.constant 32 : index
      %get3A_248 = tpu.vector_load %arg4[%get3A_246, %get3A_247] {strides = array<i32>} : memref<32x64xi32, #tpu.memory_space<vmem>>, vector<16xi32>,
      %add3A_249 = arith.constant 32 : i32
      %add3A_250 = vector.broadcast %add3A_249 : i32 to vector<16xi32>
      %add3A_251 = arith.addi %iota3A, %add3A_250 : vector<16xi32>
      %lt3A_252 = arith.constant 50 : i32
      %lt3A_253 = vector.broadcast %lt3A_252 : i32 to vector<16xi32>
      %lt3A_254 = arith.cmpi slt, %add3A_251, %lt3A_253 : vector<16xi32>
      tpu.vector_store_idx %arg5[%add3A_251, %get3A_248], %broadcast_in_dim3A_11 masked %lt3A_254 : memref<50x1000xf32, #tpu.memory_space<vmem>>[vector<16xi32>, vector<16xi32>], vector<16xf32>, vector<16xi1>
      %get3A_255 = arith.index_cast %add3A_225 : i32 to index
      %get3A_256 = arith.constant 48 : index
      %get3A_257 = tpu.vector_load %arg4[%get3A_255, %get3A_256] {strides = array<i32>} : memref<32x64xi32, #tpu.memory_space<vmem>>, vector<16xi32>,
      %add3A_258 = arith.constant 48 : i32
      %add3A_259 = vector.broadcast %add3A_258 : i32 to vector<16xi32>
      %add3A_260 = arith.addi %iota3A, %add3A_259 : vector<16xi32>
      %lt3A_261 = arith.constant 50 : i32
      %lt3A_262 = vector.broadcast %lt3A_261 : i32 to vector<16xi32>
      %lt3A_263 = arith.cmpi slt, %add3A_260, %lt3A_262 : vector<16xi32>
      tpu.vector_store_idx %arg5[%add3A_260, %get3A_257], %broadcast_in_dim3A_11 masked %lt3A_263 : memref<50x1000xf32, #tpu.memory_space<vmem>>[vector<16xi32>, vector<16xi32>], vector<16xf32>, vector<16xi1>
      %dma_start3A_264 = arith.constant 0 : i32
      %dma_start3A_265 = arith.constant 0 : i32
      %dma_start3A_266 = tpu.memref_slice %arg3[%add3A_226, %dma_start3A_264, %dma_start3A_265] : memref<1024x50x1000xf32, #tpu.memory_space<hbm>> -> memref<1x50x1000xf32, #tpu.memory_space<hbm>>
      %dma_start3A_267 = tpu.memref_squeeze %dma_start3A_266 : memref<1x50x1000xf32, #tpu.memory_space<hbm>> -> memref<50x1000xf32, #tpu.memory_space<hbm>>
      %dma_start3A_268 = arith.constant 0 : i32
      %dma_start3A_269 = arith.constant 0 : i32
      %dma_start3A_270 = tpu.memref_slice %arg3[%add3A_226, %dma_start3A_268, %dma_start3A_269] : memref<1024x50x1000xf32, #tpu.memory_space<hbm>> -> memref<1x50x1000xf32, #tpu.memory_space<hbm>>
      %dma_start3A_271 = tpu.memref_squeeze %dma_start3A_270 : memref<1x50x1000xf32, #tpu.memory_space<hbm>> -> memref<50x1000xf32, #tpu.memory_space<hbm>>
      tpu.enqueue_dma source(%arg5 : memref<50x1000xf32, #tpu.memory_space<vmem>>) target(%dma_start3A_271 : memref<50x1000xf32, #tpu.memory_space<hbm>>) target_semaphore(%arg8 : memref<!tpu.dma_semaphore, #tpu.memory_space<semaphore_mem>>)
      %mul3A_272 = arith.constant 2 : i32
      %mul3A_273 = arith.muli %add3A_221, %mul3A_272 : i32
      %add3A_274 = arith.constant 1 : i32
      %add3A_275 = arith.addi %mul3A_273, %add3A_274 : i32
      %add3A_276 = arith.addi %mul3A_2, %add3A_275 : i32
      %gt3A_277 = arith.constant 0 : i32
      %gt3A_278 = arith.cmpi sgt, %add3A_221, %gt3A_277 : i32
      %convert_element_type3A_279 = arith.extui %gt3A_278 : i1 to i32
      %cond3A_280 = arith.constant 0 : i32
      %cond3A_281 = arith.cmpi ne, %convert_element_type3A_279, %cond3A_280 : i32
      scf.if %cond3A_281 {
        %dma_wait3A_326 = arith.constant 0 : i32
        %dma_wait3A_327 = arith.constant 0 : i32
        %dma_wait3A_328 = tpu.memref_slice %arg3[%add3A_276, %dma_wait3A_326, %dma_wait3A_327] : memref<1024x50x1000xf32, #tpu.memory_space<hbm>> -> memref<1x50x1000xf32, #tpu.memory_space<hbm>>
        %dma_wait3A_329 = tpu.memref_squeeze %dma_wait3A_328 : memref<1x50x1000xf32, #tpu.memory_space<hbm>> -> memref<50x1000xf32, #tpu.memory_space<hbm>>
        %dma_wait3A_330 = arith.constant 0 : i32
        %dma_wait3A_331 = arith.constant 0 : i32
        %dma_wait3A_332 = tpu.memref_slice %arg3[%add3A_276, %dma_wait3A_330, %dma_wait3A_331] : memref<1024x50x1000xf32, #tpu.memory_space<hbm>> -> memref<1x50x1000xf32, #tpu.memory_space<hbm>>
        %dma_wait3A_333 = tpu.memref_squeeze %dma_wait3A_332 : memref<1x50x1000xf32, #tpu.memory_space<hbm>> -> memref<50x1000xf32, #tpu.memory_space<hbm>>
        tpu.wait_dma2 semaphore(%arg9 : memref<!tpu.dma_semaphore, #tpu.memory_space<semaphore_mem>>) src(%arg6 : memref<50x1000xf32, #tpu.memory_space<vmem>>) dst(%dma_wait3A_333 : memref<50x1000xf32, #tpu.memory_space<hbm>>)
        %sub3A = arith.constant 2 : i32
        %sub3A_334 = arith.subi %add3A_275, %sub3A : i32
        %get3A_335 = arith.index_cast %sub3A_334 : i32 to index
        %get3A_336 = arith.constant 0 : index
        %get3A_337 = tpu.vector_load %arg4[%get3A_335, %get3A_336] {strides = array<i32>} : memref<32x64xi32, #tpu.memory_space<vmem>>, vector<16xi32>,
        %add3A_338 = arith.constant 0 : i32
        %add3A_339 = vector.broadcast %add3A_338 : i32 to vector<16xi32>
        %add3A_340 = arith.addi %iota3A, %add3A_339 : vector<16xi32>
        %lt3A_341 = arith.constant 50 : i32
        %lt3A_342 = vector.broadcast %lt3A_341 : i32 to vector<16xi32>
        %lt3A_343 = arith.cmpi slt, %add3A_340, %lt3A_342 : vector<16xi32>
        tpu.vector_store_idx %arg6[%add3A_340, %get3A_337], %broadcast_in_dim3A_9 masked %lt3A_343 : memref<50x1000xf32, #tpu.memory_space<vmem>>[vector<16xi32>, vector<16xi32>], vector<16xf32>, vector<16xi1>
        %get3A_344 = arith.index_cast %sub3A_334 : i32 to index
        %get3A_345 = arith.constant 16 : index
        %get3A_346 = tpu.vector_load %arg4[%get3A_344, %get3A_345] {strides = array<i32>} : memref<32x64xi32, #tpu.memory_space<vmem>>, vector<16xi32>,
        %add3A_347 = arith.constant 16 : i32
        %add3A_348 = vector.broadcast %add3A_347 : i32 to vector<16xi32>
        %add3A_349 = arith.addi %iota3A, %add3A_348 : vector<16xi32>
        %lt3A_350 = arith.constant 50 : i32
        %lt3A_351 = vector.broadcast %lt3A_350 : i32 to vector<16xi32>
        %lt3A_352 = arith.cmpi slt, %add3A_349, %lt3A_351 : vector<16xi32>
        tpu.vector_store_idx %arg6[%add3A_349, %get3A_346], %broadcast_in_dim3A_9 masked %lt3A_352 : memref<50x1000xf32, #tpu.memory_space<vmem>>[vector<16xi32>, vector<16xi32>], vector<16xf32>, vector<16xi1>
        %get3A_353 = arith.index_cast %sub3A_334 : i32 to index
        %get3A_354 = arith.constant 32 : index
        %get3A_355 = tpu.vector_load %arg4[%get3A_353, %get3A_354] {strides = array<i32>} : memref<32x64xi32, #tpu.memory_space<vmem>>, vector<16xi32>,
        %add3A_356 = arith.constant 32 : i32
        %add3A_357 = vector.broadcast %add3A_356 : i32 to vector<16xi32>
        %add3A_358 = arith.addi %iota3A, %add3A_357 : vector<16xi32>
        %lt3A_359 = arith.constant 50 : i32
        %lt3A_360 = vector.broadcast %lt3A_359 : i32 to vector<16xi32>
        %lt3A_361 = arith.cmpi slt, %add3A_358, %lt3A_360 : vector<16xi32>
        tpu.vector_store_idx %arg6[%add3A_358, %get3A_355], %broadcast_in_dim3A_9 masked %lt3A_361 : memref<50x1000xf32, #tpu.memory_space<vmem>>[vector<16xi32>, vector<16xi32>], vector<16xf32>, vector<16xi1>
        %get3A_362 = arith.index_cast %sub3A_334 : i32 to index
        %get3A_363 = arith.constant 48 : index
        %get3A_364 = tpu.vector_load %arg4[%get3A_362, %get3A_363] {strides = array<i32>} : memref<32x64xi32, #tpu.memory_space<vmem>>, vector<16xi32>,
        %add3A_365 = arith.constant 48 : i32
        %add3A_366 = vector.broadcast %add3A_365 : i32 to vector<16xi32>
        %add3A_367 = arith.addi %iota3A, %add3A_366 : vector<16xi32>
        %lt3A_368 = arith.constant 50 : i32
        %lt3A_369 = vector.broadcast %lt3A_368 : i32 to vector<16xi32>
        %lt3A_370 = arith.cmpi slt, %add3A_367, %lt3A_369 : vector<16xi32>
        tpu.vector_store_idx %arg6[%add3A_367, %get3A_364], %broadcast_in_dim3A_9 masked %lt3A_370 : memref<50x1000xf32, #tpu.memory_space<vmem>>[vector<16xi32>, vector<16xi32>], vector<16xf32>, vector<16xi1>
      } else {
      }
      %get3A_282 = arith.index_cast %add3A_275 : i32 to index
      %get3A_283 = arith.constant 0 : index
      %get3A_284 = tpu.vector_load %arg4[%get3A_282, %get3A_283] {strides = array<i32>} : memref<32x64xi32, #tpu.memory_space<vmem>>, vector<16xi32>,
      %add3A_285 = arith.constant 0 : i32
      %add3A_286 = vector.broadcast %add3A_285 : i32 to vector<16xi32>
      %add3A_287 = arith.addi %iota3A, %add3A_286 : vector<16xi32>
      %lt3A_288 = arith.constant 50 : i32
      %lt3A_289 = vector.broadcast %lt3A_288 : i32 to vector<16xi32>
      %lt3A_290 = arith.cmpi slt, %add3A_287, %lt3A_289 : vector<16xi32>
      tpu.vector_store_idx %arg6[%add3A_287, %get3A_284], %broadcast_in_dim3A_11 masked %lt3A_290 : memref<50x1000xf32, #tpu.memory_space<vmem>>[vector<16xi32>, vector<16xi32>], vector<16xf32>, vector<16xi1>
      %get3A_291 = arith.index_cast %add3A_275 : i32 to index
      %get3A_292 = arith.constant 16 : index
      %get3A_293 = tpu.vector_load %arg4[%get3A_291, %get3A_292] {strides = array<i32>} : memref<32x64xi32, #tpu.memory_space<vmem>>, vector<16xi32>,
      %add3A_294 = arith.constant 16 : i32
      %add3A_295 = vector.broadcast %add3A_294 : i32 to vector<16xi32>
      %add3A_296 = arith.addi %iota3A, %add3A_295 : vector<16xi32>
      %lt3A_297 = arith.constant 50 : i32
      %lt3A_298 = vector.broadcast %lt3A_297 : i32 to vector<16xi32>
      %lt3A_299 = arith.cmpi slt, %add3A_296, %lt3A_298 : vector<16xi32>
      tpu.vector_store_idx %arg6[%add3A_296, %get3A_293], %broadcast_in_dim3A_11 masked %lt3A_299 : memref<50x1000xf32, #tpu.memory_space<vmem>>[vector<16xi32>, vector<16xi32>], vector<16xf32>, vector<16xi1>
      %get3A_300 = arith.index_cast %add3A_275 : i32 to index
      %get3A_301 = arith.constant 32 : index
      %get3A_302 = tpu.vector_load %arg4[%get3A_300, %get3A_301] {strides = array<i32>} : memref<32x64xi32, #tpu.memory_space<vmem>>, vector<16xi32>,
      %add3A_303 = arith.constant 32 : i32
      %add3A_304 = vector.broadcast %add3A_303 : i32 to vector<16xi32>
      %add3A_305 = arith.addi %iota3A, %add3A_304 : vector<16xi32>
      %lt3A_306 = arith.constant 50 : i32
      %lt3A_307 = vector.broadcast %lt3A_306 : i32 to vector<16xi32>
      %lt3A_308 = arith.cmpi slt, %add3A_305, %lt3A_307 : vector<16xi32>
      tpu.vector_store_idx %arg6[%add3A_305, %get3A_302], %broadcast_in_dim3A_11 masked %lt3A_308 : memref<50x1000xf32, #tpu.memory_space<vmem>>[vector<16xi32>, vector<16xi32>], vector<16xf32>, vector<16xi1>
      %get3A_309 = arith.index_cast %add3A_275 : i32 to index
      %get3A_310 = arith.constant 48 : index
      %get3A_311 = tpu.vector_load %arg4[%get3A_309, %get3A_310] {strides = array<i32>} : memref<32x64xi32, #tpu.memory_space<vmem>>, vector<16xi32>,
      %add3A_312 = arith.constant 48 : i32
      %add3A_313 = vector.broadcast %add3A_312 : i32 to vector<16xi32>
      %add3A_314 = arith.addi %iota3A, %add3A_313 : vector<16xi32>
      %lt3A_315 = arith.constant 50 : i32
      %lt3A_316 = vector.broadcast %lt3A_315 : i32 to vector<16xi32>
      %lt3A_317 = arith.cmpi slt, %add3A_314, %lt3A_316 : vector<16xi32>
      tpu.vector_store_idx %arg6[%add3A_314, %get3A_311], %broadcast_in_dim3A_11 masked %lt3A_317 : memref<50x1000xf32, #tpu.memory_space<vmem>>[vector<16xi32>, vector<16xi32>], vector<16xf32>, vector<16xi1>
      %dma_start3A_318 = arith.constant 0 : i32
      %dma_start3A_319 = arith.constant 0 : i32
      %dma_start3A_320 = tpu.memref_slice %arg3[%add3A_276, %dma_start3A_318, %dma_start3A_319] : memref<1024x50x1000xf32, #tpu.memory_space<hbm>> -> memref<1x50x1000xf32, #tpu.memory_space<hbm>>
      %dma_start3A_321 = tpu.memref_squeeze %dma_start3A_320 : memref<1x50x1000xf32, #tpu.memory_space<hbm>> -> memref<50x1000xf32, #tpu.memory_space<hbm>>
      %dma_start3A_322 = arith.constant 0 : i32
      %dma_start3A_323 = arith.constant 0 : i32
      %dma_start3A_324 = tpu.memref_slice %arg3[%add3A_276, %dma_start3A_322, %dma_start3A_323] : memref<1024x50x1000xf32, #tpu.memory_space<hbm>> -> memref<1x50x1000xf32, #tpu.memory_space<hbm>>
      %dma_start3A_325 = tpu.memref_squeeze %dma_start3A_324 : memref<1x50x1000xf32, #tpu.memory_space<hbm>> -> memref<50x1000xf32, #tpu.memory_space<hbm>>
      tpu.enqueue_dma source(%arg6 : memref<50x1000xf32, #tpu.memory_space<vmem>>) target(%dma_start3A_325 : memref<50x1000xf32, #tpu.memory_space<hbm>>) target_semaphore(%arg9 : memref<!tpu.dma_semaphore, #tpu.memory_space<semaphore_mem>>)
    }
    %scan3A_200 = arith.constant 16 : i32
    %dma_wait3A_201 = arith.constant 0 : i32
    %dma_wait3A_202 = arith.constant 0 : i32
    %dma_wait3A_203 = tpu.memref_slice %arg3[%mul3A_2, %dma_wait3A_201, %dma_wait3A_202] : memref<1024x50x1000xf32, #tpu.memory_space<hbm>> -> memref<1x50x1000xf32, #tpu.memory_space<hbm>>
    %dma_wait3A_204 = tpu.memref_squeeze %dma_wait3A_203 : memref<1x50x1000xf32, #tpu.memory_space<hbm>> -> memref<50x1000xf32, #tpu.memory_space<hbm>>
    %dma_wait3A_205 = arith.constant 0 : i32
    %dma_wait3A_206 = arith.constant 0 : i32
    %dma_wait3A_207 = tpu.memref_slice %arg3[%mul3A_2, %dma_wait3A_205, %dma_wait3A_206] : memref<1024x50x1000xf32, #tpu.memory_space<hbm>> -> memref<1x50x1000xf32, #tpu.memory_space<hbm>>
    %dma_wait3A_208 = tpu.memref_squeeze %dma_wait3A_207 : memref<1x50x1000xf32, #tpu.memory_space<hbm>> -> memref<50x1000xf32, #tpu.memory_space<hbm>>
    tpu.wait_dma2 semaphore(%arg8 : memref<!tpu.dma_semaphore, #tpu.memory_space<semaphore_mem>>) src(%arg5 : memref<50x1000xf32, #tpu.memory_space<vmem>>) dst(%dma_wait3A_208 : memref<50x1000xf32, #tpu.memory_space<hbm>>)
    %dma_wait3A_209 = arith.constant 0 : i32
    %dma_wait3A_210 = arith.constant 0 : i32
    %dma_wait3A_211 = tpu.memref_slice %arg3[%mul3A_2, %dma_wait3A_209, %dma_wait3A_210] : memref<1024x50x1000xf32, #tpu.memory_space<hbm>> -> memref<1x50x1000xf32, #tpu.memory_space<hbm>>
    %dma_wait3A_212 = tpu.memref_squeeze %dma_wait3A_211 : memref<1x50x1000xf32, #tpu.memory_space<hbm>> -> memref<50x1000xf32, #tpu.memory_space<hbm>>
    %dma_wait3A_213 = arith.constant 0 : i32
    %dma_wait3A_214 = arith.constant 0 : i32
    %dma_wait3A_215 = tpu.memref_slice %arg3[%mul3A_2, %dma_wait3A_213, %dma_wait3A_214] : memref<1024x50x1000xf32, #tpu.memory_space<hbm>> -> memref<1x50x1000xf32, #tpu.memory_space<hbm>>
    %dma_wait3A_216 = tpu.memref_squeeze %dma_wait3A_215 : memref<1x50x1000xf32, #tpu.memory_space<hbm>> -> memref<50x1000xf32, #tpu.memory_space<hbm>>
    tpu.wait_dma2 semaphore(%arg9 : memref<!tpu.dma_semaphore, #tpu.memory_space<semaphore_mem>>) src(%arg6 : memref<50x1000xf32, #tpu.memory_space<vmem>>) dst(%dma_wait3A_216 : memref<50x1000xf32, #tpu.memory_space<hbm>>)
    return
  }
}

</mosaic_0001>

<sc_bundles>
// kernel: kernel.3.cloned.1.call-start
scs
__scs_entry_jumppad:
0x0: {  	(pc) =	sbr.rel $0x88, $3  }
0x1: {  	(tag) =	ssettag $0x0;
	lr =	simm.s32 $0x1  }
0x2: {  	[smem:$0x3FA0] =	sst lr;
	_ =	strace $0xD0000000  }
0x3: {  	_ = 	snop  }
0x4: {  	_ = 	snop  }
0x5: {  	_ = 	snop  }
0x6: {  	_ = 	snop  }
0x7: {  	_ = 	snop  }
__scs_overlays_trampoline_lowered:
0x8: {  	[smem:$0x3FAF] =	sst s0  }
0x9: {  	[smem:$0x3FB0] =	sst s1  }
0xa: {  	[smem:$0x3FB1] =	sst s2  }
0xb: {  	[smem:$0x3FB2] =	sst s3  }
0xc: {  	[smem:$0x3FB3] =	sst s4  }
0xd: {  	[smem:$0x3FB4] =	sst s5  }
0xe: {  	[smem:$0x3FB5] =	sst s6  }
0xf: {  	[smem:$0x3FB6] =	sst s7  }
0x10: {  	[smem:$0x3FB7] =	sst s8  }
0x11: {  	[smem:$0x3FB8] =	sst s9;
	s0 =	simm.s32 @!p0 $0x0  }
0x12: {  	s1 =	sld [smem:$0x3F9E];
	s0 =	simm.s32 @p0 $0x1  }
0x13: {  	[smem:$0x3FB9] =	sst s0;
	s0 =	simm.s32 @!p1 $0x0  }
0x14: {  	s2 =	sld [smem:$0x3F9D];
	s0 =	simm.s32 @p1 $0x1  }
0x15: {  	[smem:$0x3FBA] =	sst s0;
	s0 =	simm.s32 @!p2 $0x0  }
0x16: {  	s3 =	sld [smem:$0x3FDB];
	s0 =	simm.s32 @p2 $0x1  }
0x17: {  	s4 =	simm.s32 $0x1BF5;
	[smem:$0x3FBC] =	sst s0  }
0x18: {  	s0 =	sld [smem:$0x3F9F];
	_ =	swait.ge [sflag:s4], $0x0  }
0x19: {  	s7 =	sld [smem:$0x3FA0]  }
0x1a: {  	s8 =	sadd.s32 $0xFFFFE003, lr  }
0x1b: {  	s9 =	sadd.s32 $0xFFFFFEF7, lr;
	s5 =	simm.s32 $0xFFFFFFFF;
	p2 =	slt.u32 s8, $0xFFFFF086  }
0x1c: {  	p1 =	slt.u32 s9, $0xF7A;
	s5 =	simm.s32 @!p2 $0x0  }
0x1d: {  	s5 =	simm.s32 @p1 $0x1;
	p0 =	seq.s32 s7, s2  }
0x1e: {  	s7 =	smul.u32 @!p0 $0xF7A, s2;
	p2 =	seq.s32 @!p0 s5, $0x0  }
0x1f: {  	s9 =	smul.u32 $0xF7A, s1;
	s8 =	simm.s32 @!p0 $0x1BF5;
	p2 =	por !p2, p0  }
0x20: {  	[sflag:s8] =	ssyncset.s32 @!p0 $0xFFFFF086;
	s6 =	sadd.s32 @!p0 s3, s7;
	s7 =	simm.s32 @!p0 $0x108  }
0x21: {  	s3 =	sadd.s32 s3, s9;
	s6 =	sadd.s32 @!p0 $0x88, s6;
	s7 =	simm.s32 @p2 $0x1082  }
0x22: {  	[simem:s7], [sflag:s8] =	dma.local @!p0 [hbm:s6], $0xF7A  }
0x23: {  	s9 =	sor.u32 $0xD0000000, s2;
	s6 =	simm.s32 $0x108;
	_ =	swait.ge @!p0 [sflag:s8], $0x0  }
0x24: {  	s3 =	sadd.s32 $0x88, s3;
	s6 =	simm.s32 @!p1 $0x1082;
	[sflag:s4] =	ssyncset.s32 $0xFFFFF086  }
0x25: {  	[simem:s6], [sflag:s4] =	dma.local [hbm:s3], $0xF7A  }
0x26: {  	[smem:$0x3FA0] =	sst s1;
	(tag) =	ssettag s2;
	_ =	strace s9  }
0x27: {  	s1 =	sld [smem:$0x3FB0]  }
0x28: {  	s2 =	sld [smem:$0x3FB1]  }
0x29: {  	s4 =	sld [smem:$0x3FB3]  }
0x2a: {  	p0 =	seq.s32 s5, $0x0;
	s5 =	sld [smem:$0x3FB4]  }
0x2b: {  	s6 =	sld [smem:$0x3FB5]  }
0x2c: {  	s7 =	sld [smem:$0x3FB6]  }
0x2d: {  	s3 =	simm.s32 $0x108;
	s8 =	sld [smem:$0x3FB7]  }
0x2e: {  	s3 =	simm.s32 @!p0 $0x1082;
	s9 =	sld [smem:$0x3FB8]  }
0x2f: {  	lr =	sadd.s32 s0, s3;
	s0 =	sld [smem:$0x3FAF]  }
0x30: {  	s3 =	sld [smem:$0x3FB2]  }
0x31: {  	[smem:$0x3FBB] =	sst s10  }
0x32: {  	s10 =	sld [smem:$0x3FB9];
	_ =	sdelay $0x3  }
0x33: {  	p0 =	seq.s32 s10, $0x1;
	s10 =	sld [smem:$0x3FBB];
	_ =	sdelay $0x3  }
0x34: {  	[smem:$0x3FBB] =	sst s10  }
0x35: {  	s10 =	sld [smem:$0x3FBA];
	_ =	sdelay $0x3  }
0x36: {  	p1 =	seq.s32 s10, $0x1;
	s10 =	sld [smem:$0x3FBB];
	_ =	sdelay $0x3  }
0x37: {  	[smem:$0x3FBB] =	sst s10  }
0x38: {  	s10 =	sld [smem:$0x3FBC]  }
0x39: {  	_ = 	snop;
	(pc) =	sbr.ind lr, $3  }
0x3a: {  	_ = 	snop  }
0x3b: {  	_ = 	snop  }
0x3c: {  	p2 =	seq.s32 s10, $0x1;
	s10 =	sld [smem:$0x3FBB]  }
0x3d: {  	_ =	shalt  }
0x3e: {  	_ =	shalt  }
0x3f: {  	_ =	shalt  }
0x40: {  	_ =	shalt  }
0x41: {  	_ =	shalt  }
0x42: {  	_ =	shalt  }
0x43: {  	_ =	shalt  }
0x44: {  	_ =	shalt  }
0x45: {  	_ =	shalt  }
0x46: {  	_ =	shalt  }
0x47: {  	_ =	shalt  }
0x48: {  	_ =	shalt  }
0x49: {  	_ =	shalt  }
0x4a: {  	_ =	shalt  }
0x4b: {  	_ =	shalt  }
0x4c: {  	_ =	shalt  }
0x4d: {  	_ =	shalt  }
0x4e: {  	_ =	shalt  }
0x4f: {  	_ =	shalt  }
0x50: {  	_ =	shalt  }
0x51: {  	_ =	shalt  }
0x52: {  	_ =	shalt  }
0x53: {  	_ =	shalt  }
0x54: {  	_ =	shalt  }
0x55: {  	_ =	shalt  }
0x56: {  	_ =	shalt  }
0x57: {  	_ =	shalt  }
0x58: {  	_ =	shalt  }
0x59: {  	_ =	shalt  }
0x5a: {  	_ =	shalt  }
0x5b: {  	_ =	shalt  }
0x5c: {  	_ =	shalt  }
0x5d: {  	_ =	shalt  }
0x5e: {  	_ =	shalt  }
0x5f: {  	_ =	shalt  }
0x60: {  	_ =	shalt  }
0x61: {  	_ =	shalt  }
0x62: {  	_ =	shalt  }
0x63: {  	_ =	shalt  }
0x64: {  	_ =	shalt  }
0x65: {  	_ =	shalt  }
0x66: {  	_ =	shalt  }
0x67: {  	_ =	shalt  }
0x68: {  	_ =	shalt  }
0x69: {  	_ =	shalt  }
0x6a: {  	_ =	shalt  }
0x6b: {  	_ =	shalt  }
0x6c: {  	_ =	shalt  }
0x6d: {  	_ =	shalt  }
0x6e: {  	_ =	shalt  }
0x6f: {  	_ =	shalt  }
0x70: {  	_ =	shalt  }
0x71: {  	_ =	shalt  }
0x72: {  	_ =	shalt  }
0x73: {  	_ =	shalt  }
0x74: {  	_ =	shalt  }
0x75: {  	_ =	shalt  }
0x76: {  	_ =	shalt  }
0x77: {  	_ =	shalt  }
0x78: {  	_ =	shalt  }
0x79: {  	_ =	shalt  }
0x7a: {  	_ =	shalt  }
0x7b: {  	_ =	shalt  }
0x7c: {  	_ =	shalt  }
0x7d: {  	_ =	shalt  }
0x7e: {  	_ =	shalt  }
0x7f: {  	_ =	shalt  }
0x80: {  	_ =	shalt  }
0x81: {  	_ =	shalt  }
0x82: {  	_ =	shalt  }
0x83: {  	_ =	shalt  }
0x84: {  	_ =	shalt  }
0x85: {  	_ =	shalt  }
0x86: {  	_ =	shalt  }
0x87: {  	_ =	shalt  }
.Lfunc_end0:
.L_simem_size_0:
called_computation_lowered:
.L_overlay_start_0:
0x88: {  	s2 =	sld [smem:$0x3FD9]  }
0x89: {  	s3 =	sld [smem:$0x3FFE];
	_ =	sdelay $0x1  }
0x8a: {  	s1 =	srdreg.scid  }
0x8b: {  	s0 =	sand.u32 $0x1, s1  }
0x8c: {  	s17 =	sshll.u32 s0, $0xA;
	s2 =	sadd.s32 s3, s2  }
0x8d: {  	s2 =	sadd.s32 s2, s17  }
0x8e: {  	[smem:$0x3FC7] =	sst s2  }
0x8f: {  	_ = 	snop  }
0x90: {  	s2 =	sld [smem:$0x3FD0];
	(tm) =	ssettm $0x1  }
0x91: {  	s18 =	sld [smem:$0x3FFB];
	_ =	sdelay $0x3  }
0x92: {  	_ =	strace s18  }
0x93: {  	s3 =	sld [smem:$0x3FFC];
	_ =	sdelay $0x3  }
0x94: {  	_ =	strace s3  }
0x95: {  	s3 =	sld [smem:$0x3FFD];
	_ =	sdelay $0x3  }
0x96: {  	_ =	strace s3  }
0x97: {  	_ =	strace $0x8FFFFFFF  }
0x98: {  	s19 =	sld [smem:$0x3FDB];
	_ =	sdelay $0x1  }
0x99: {  	s4 =	simm.s32 $_scs_section_size  }
0x9a: {  	s5 =	simm.s32 $_size__tile_overlayer_lowered;
	s6 =	simm.s32 $_tile_overlayer_lowered  }
0x9b: {  	s22 =	simm.s32 $0x1BFF;
	s21 =	sshll.u32 s6, $0x1;
	s3 =	sadd.s32 s4, s19  }
0x9c: {  	s7 =	simm.s32 $0x0;
	s20 =	sshll.u32 s5, $0x1;
	s5 =	sadd.s32 s21, s3  }
0x9d: {  	[timem:s7], [sflag:s22] =	dma.local [hbm:s5], s20  }
0x9e: {  	_ =	swait.ge [sflag:s22], s20  }
0x9f: {  	s4 =	ssub.s32 $0x0, s20;
	[sflag:s22] =	ssyncset.done $0x0  }
0xa0: {  	[sflag:s22] =	ssyncadd.s32 s4;
	_ =	sdelay $0x1  }
0xa1: {  	s23 =	simm.s32 $0x1B8B  }
0xa2: {  	_ =	swait.ge [sflag:s23], $0x1  }
0xa3: {  	[sflag:s23] =	ssyncset.done $0x0  }
0xa4: {  	s25 =	simm.s32 $0x1B8E;
	s24 =	sld [smem:$0x3FFE];
	[sflag:s23] =	ssyncadd.s32 $0xFFFFFFFF  }
0xa5: {  	s26 =	simm.s32 $execute0_lowered;
	[smem:$0x3FD2] =	sst s25  }
0xa6: {  	s5 =	sshll.u32 s26, $0x1;
	_ =	strace $0x80000046;
	[dreg:$0x1] =	wrdreg $0xFFFFFFFF  }
0xa7: {  	s28 =	simm.s32 $_size_execute0_lowered;
	s3 =	sadd.s32 s3, s5;
	[dreg:$0x0] =	wrdreg $0x0  }
0xa8: {  	s5 =	sshll.u32 s28, $0x1;
	[dreg:$0x2] =	wrdreg s3  }
0xa9: {  	[dreg:$0x3] =	wrdreg s5  }
0xaa: {  	[dreg:$0x4] =	wrdreg $0xC0  }
0xab: {  	_ =	task [dreg:s7], $0x5FFFF  }
0xac: {  	[dreg:$0x1] =	wrdreg $0xFFFFFFFF  }
0xad: {  	[dreg:$0x0] =	wrdreg $0x60  }
0xae: {  	[dreg:$0x2] =	wrdreg s2  }
0xaf: {  	[dreg:$0x3] =	wrdreg s24  }
0xb0: {  	[dreg:$0x4] =	wrdreg $0x9  }
0xb1: {  	_ =	task.clear_ibuf [dreg:s7], $0x5FFFF;
	_ =	strace $0x90000046  }
0xb2: {  	s29 =	simm.s32 $0x9;
	_ =	strace $0x80000048  }
0xb3: {  	_ =	swait.ge [sflag:s29], $0x1  }
0xb4: {  	[sflag:s29] =	ssyncadd.s32 $0xFFFFFFFF  }
0xb5: {  	_ =	strace $0x90000048  }
0xb6: {  	_ =	sfence  }
0xb7: {  	s30 =	sld [smem:$0x0];
	_ =	sdelay $0x2  }
0xb8: {  	s31 =	sshll.u32 s1, $0xD;
	s1 =	sshrl.u32 s1, $0x2  }
0xb9: {  	s3 =	sand.u32 $0x4000, s31;
	s1 =	sadd.s32 s1, s30  }
0xba: {  	s0 =	sor.u32 s3, s0;
	s1 =	sshll.u32 s1, $0x11  }
0xbb: {  	s0 =	sor.u32 s1, s0  }
0xbc: {  	s0 =	sadd.s32 $0x8F2B, s0  }
0xbd: {  	[sflag:s0] =	ssyncadd.remote.s32 $0x1  }
0xbe: {  	_ =	sfence.sel $0xFFFF  }
0xbf: {  	[dreg:$0x0] =	wrdreg $0xFFFFFFFF;
	(pc) =	sbr.abs _section_cstart, $3  }
0xc0: {  	[dreg:$0x1] =	wrdreg $0xFFFFFFFF  }
0xc1: {  	_ =	task.clear_ibuf [dreg:s7], $0x2FFFF;
	_ =	strace $0x9FFFFFFF  }
0xc2: {  	(tm) =	ssettm $0x7FFFFFFF  }
0xc3: {  	_ =	shalt  }
tec
execute0_lowered:
.L_overlay_start_1:
0x0: {  	(tag) =	ssettag $0x1  }
0x1: {  	v0 =	vimm.s32 $0x3FE0;
	vm14 =	vcmask $0x300  }
0x2: {  	vm13 =	vcmask $0x704;
	vm12 =	vcmask $0xB08;
	vm11 =	vcmask $0xF0C  }
0x3: {  	vm10 =	vcmask $0x1310;
	vm9 =	vcmask $0x1714;
	vm7 =	vcmask $0x1B18  }
0x4: {  	vm6 =	vcmask $0x1F1C;
	v2 =	vimm.s32 $0x3FE1;
	v3 =	vimm.s32 $0x3FE2  }
0x5: {  	vm0 =	vcmask $0x2320;
	vm1 =	vcmask $0x2724;
	vm2 =	vcmask $0x2B28  }
0x6: {  	vm3 =	vcmask $0x2F2C;
	vm4 =	vcmask $0x3330;
	vm5 =	vcmask $0x3734  }
0x7: {  	vm8 =	vcmask $0x3B38;
	v4 =	vimm.s32 $0x3FE3;
	v5 =	vimm.s32 $0x3FE4  }
0x8: {  	v6 =	vimm.s32 $0x3FE5;
	v7 =	vimm.s32 $0x3FE6;
	v8 =	vimm.s32 $0x3FE7  }
0x9: {  	v9 =	vimm.s32 $0x7FE0;
	v10 =	vimm.s32 $0x7FE1;
	v11 =	vimm.s32 $0x7FE2  }
0xa: {  	v12 =	vimm.s32 $0x7FE3;
	v13 =	vimm.s32 $0x7FE4;
	v14 =	vimm.s32 $0x7FE5  }
0xb: {  	v15 =	vimm.s32 $0x7FE6;
	v16 =	vimm.s32 $0x7FE7;
	v17 =	vimm.s32 $0xBFE0  }
0xc: {  	v18 =	vimm.s32 $0xBFE1;
	v19 =	vimm.s32 $0xBFE2;
	v20 =	vimm.s32 $0xBFE3  }
0xd: {  	v21 =	vimm.s32 $0xBFE4;
	v22 =	vimm.s32 $0xBFE5;
	v23 =	vimm.s32 $0xBFE6  }
0xe: {  	v24 =	vimm.s32 $0xBFE7;
	v25 =	vimm.s32 $0xFFE0;
	v26 =	vimm.s32 $0xFFE1  }
0xf: {  	v27 =	vimm.s32 $0xFFE2;
	v28 =	vimm.s32 $0xFFE3;
	v29 =	vimm.s32 $0xFFE4  }
0x10: {  	v30 =	vimm.s32 $0xFFE5;
	v31 =	vimm.s32 $0xFFE6;
	v32 =	vimm.s32 $0xFFE7  }
0x11: {  	v33 =	vimm.s32 $0x2380;
	v34 =	vimm.f32 $9.001001110e-01;
	v35 =	vimm.s32 $0x6380  }
0x12: {  	v36 =	vimm.s32 $0xA380;
	v37 =	vimm.s32 $0xE380;
	v0 =	vsel vm14, $0x1C60, v0  }
0x13: {  	v2 =	vsel vm14, $0x1C61, v2;
	v3 =	vsel vm14, $0x1C62, v3;
	v4 =	vsel vm14, $0x1C63, v4  }
0x14: {  	v5 =	vsel vm14, $0x1C64, v5;
	v6 =	vsel vm14, $0x1C65, v6;
	v7 =	vsel vm14, $0x1C66, v7  }
0x15: {  	v8 =	vsel vm14, $0x1C67, v8;
	v9 =	vsel vm14, $0x5C60, v9;
	v10 =	vsel vm14, $0x5C61, v10  }
0x16: {  	v11 =	vsel vm14, $0x5C62, v11;
	v12 =	vsel vm14, $0x5C63, v12;
	v13 =	vsel vm14, $0x5C64, v13  }
0x17: {  	v14 =	vsel vm14, $0x5C65, v14;
	v15 =	vsel vm14, $0x5C66, v15;
	v16 =	vsel vm14, $0x5C67, v16  }
0x18: {  	v17 =	vsel vm14, $0x9C60, v17;
	v18 =	vsel vm14, $0x9C61, v18;
	v19 =	vsel vm14, $0x9C62, v19  }
0x19: {  	v20 =	vsel vm14, $0x9C63, v20;
	v21 =	vsel vm14, $0x9C64, v21;
	v22 =	vsel vm14, $0x9C65, v22  }
0x1a: {  	v23 =	vsel vm14, $0x9C66, v23;
	v24 =	vsel vm14, $0x9C67, v24;
	v25 =	vsel vm14, $0xDC60, v25  }
0x1b: {  	v26 =	vsel vm14, $0xDC61, v26;
	v27 =	vsel vm14, $0xDC62, v27;
	v28 =	vsel vm14, $0xDC63, v28  }
0x1c: {  	v29 =	vsel vm14, $0xDC64, v29;
	v30 =	vsel vm14, $0xDC65, v30;
	v31 =	vsel vm14, $0xDC66, v31  }
0x1d: {  	v32 =	vsel vm14, $0xDC67, v32;
	v33 =	vsel vm14, $0x0, v33;
	v35 =	vsel vm14, $0x4000, v35  }
0x1e: {  	v36 =	vsel vm14, $0x8000, v36;
	v37 =	vsel vm14, $0xC000, v37;
	v0 =	vsel vm13, $0x1CE0, v0  }
0x1f: {  	v2 =	vsel vm13, $0x1CE1, v2;
	v3 =	vsel vm13, $0x1CE2, v3;
	v4 =	vsel vm13, $0x1CE3, v4  }
0x20: {  	v5 =	vsel vm13, $0x1CE4, v5;
	v6 =	vsel vm13, $0x1CE5, v6;
	v7 =	vsel vm13, $0x1CE6, v7  }
0x21: {  	v8 =	vsel vm13, $0x1CE7, v8;
	v9 =	vsel vm13, $0x5CE0, v9;
	v10 =	vsel vm13, $0x5CE1, v10  }
0x22: {  	v11 =	vsel vm13, $0x5CE2, v11;
	v12 =	vsel vm13, $0x5CE3, v12;
	v13 =	vsel vm13, $0x5CE4, v13  }
0x23: {  	v14 =	vsel vm13, $0x5CE5, v14;
	v15 =	vsel vm13, $0x5CE6, v15;
	v16 =	vsel vm13, $0x5CE7, v16  }
0x24: {  	v17 =	vsel vm13, $0x9CE0, v17;
	v18 =	vsel vm13, $0x9CE1, v18;
	v19 =	vsel vm13, $0x9CE2, v19  }
0x25: {  	v20 =	vsel vm13, $0x9CE3, v20;
	v21 =	vsel vm13, $0x9CE4, v21;
	v22 =	vsel vm13, $0x9CE5, v22  }
0x26: {  	v23 =	vsel vm13, $0x9CE6, v23;
	v24 =	vsel vm13, $0x9CE7, v24;
	v25 =	vsel vm13, $0xDCE0, v25  }
0x27: {  	v26 =	vsel vm13, $0xDCE1, v26;
	v27 =	vsel vm13, $0xDCE2, v27;
	v28 =	vsel vm13, $0xDCE3, v28  }
0x28: {  	v29 =	vsel vm13, $0xDCE4, v29;
	v30 =	vsel vm13, $0xDCE5, v30;
	v31 =	vsel vm13, $0xDCE6, v31  }
0x29: {  	v32 =	vsel vm13, $0xDCE7, v32;
	v33 =	vsel vm13, $0x80, v33;
	v35 =	vsel vm13, $0x4080, v35  }
0x2a: {  	v36 =	vsel vm13, $0x8080, v36;
	v37 =	vsel vm13, $0xC080, v37;
	v0 =	vsel vm12, $0x1D60, v0  }
0x2b: {  	v2 =	vsel vm12, $0x1D61, v2;
	v3 =	vsel vm12, $0x1D62, v3;
	v4 =	vsel vm12, $0x1D63, v4  }
0x2c: {  	v5 =	vsel vm12, $0x1D64, v5;
	v6 =	vsel vm12, $0x1D65, v6;
	v7 =	vsel vm12, $0x1D66, v7  }
0x2d: {  	v8 =	vsel vm12, $0x1D67, v8;
	v9 =	vsel vm12, $0x5D60, v9;
	v10 =	vsel vm12, $0x5D61, v10  }
0x2e: {  	v11 =	vsel vm12, $0x5D62, v11;
	v12 =	vsel vm12, $0x5D63, v12;
	v13 =	vsel vm12, $0x5D64, v13  }
0x2f: {  	v14 =	vsel vm12, $0x5D65, v14;
	v15 =	vsel vm12, $0x5D66, v15;
	v16 =	vsel vm12, $0x5D67, v16  }
0x30: {  	v17 =	vsel vm12, $0x9D60, v17;
	v18 =	vsel vm12, $0x9D61, v18;
	v19 =	vsel vm12, $0x9D62, v19  }
0x31: {  	v20 =	vsel vm12, $0x9D63, v20;
	v21 =	vsel vm12, $0x9D64, v21;
	v22 =	vsel vm12, $0x9D65, v22  }
0x32: {  	v23 =	vsel vm12, $0x9D66, v23;
	v24 =	vsel vm12, $0x9D67, v24;
	v25 =	vsel vm12, $0xDD60, v25  }
0x33: {  	v26 =	vsel vm12, $0xDD61, v26;
	v27 =	vsel vm12, $0xDD62, v27;
	v28 =	vsel vm12, $0xDD63, v28  }
0x34: {  	v29 =	vsel vm12, $0xDD64, v29;
	v30 =	vsel vm12, $0xDD65, v30;
	v31 =	vsel vm12, $0xDD66, v31  }
0x35: {  	v32 =	vsel vm12, $0xDD67, v32;
	v33 =	vsel vm12, $0x100, v33;
	v35 =	vsel vm12, $0x4100, v35  }
0x36: {  	v36 =	vsel vm12, $0x8100, v36;
	v37 =	vsel vm12, $0xC100, v37;
	v0 =	vsel vm11, $0x1DE0, v0  }
0x37: {  	v2 =	vsel vm11, $0x1DE1, v2;
	v3 =	vsel vm11, $0x1DE2, v3;
	v4 =	vsel vm11, $0x1DE3, v4  }
0x38: {  	v5 =	vsel vm11, $0x1DE4, v5;
	v6 =	vsel vm11, $0x1DE5, v6;
	v7 =	vsel vm11, $0x1DE6, v7  }
0x39: {  	v8 =	vsel vm11, $0x1DE7, v8;
	v9 =	vsel vm11, $0x5DE0, v9;
	v10 =	vsel vm11, $0x5DE1, v10  }
0x3a: {  	v11 =	vsel vm11, $0x5DE2, v11;
	v12 =	vsel vm11, $0x5DE3, v12;
	v13 =	vsel vm11, $0x5DE4, v13  }
0x3b: {  	v14 =	vsel vm11, $0x5DE5, v14;
	v15 =	vsel vm11, $0x5DE6, v15;
	v16 =	vsel vm11, $0x5DE7, v16  }
0x3c: {  	v17 =	vsel vm11, $0x9DE0, v17;
	v18 =	vsel vm11, $0x9DE1, v18;
	v19 =	vsel vm11, $0x9DE2, v19  }
0x3d: {  	v20 =	vsel vm11, $0x9DE3, v20;
	v21 =	vsel vm11, $0x9DE4, v21;
	v22 =	vsel vm11, $0x9DE5, v22  }
0x3e: {  	v23 =	vsel vm11, $0x9DE6, v23;
	v24 =	vsel vm11, $0x9DE7, v24;
	v25 =	vsel vm11, $0xDDE0, v25  }
0x3f: {  	v26 =	vsel vm11, $0xDDE1, v26;
	v27 =	vsel vm11, $0xDDE2, v27;
	v28 =	vsel vm11, $0xDDE3, v28  }
0x40: {  	v29 =	vsel vm11, $0xDDE4, v29;
	v30 =	vsel vm11, $0xDDE5, v30;
	v31 =	vsel vm11, $0xDDE6, v31  }
0x41: {  	v32 =	vsel vm11, $0xDDE7, v32;
	v33 =	vsel vm11, $0x180, v33;
	v35 =	vsel vm11, $0x4180, v35  }
0x42: {  	v36 =	vsel vm11, $0x8180, v36;
	v37 =	vsel vm11, $0xC180, v37;
	v0 =	vsel vm10, $0x1E60, v0  }
0x43: {  	v2 =	vsel vm10, $0x1E61, v2;
	v3 =	vsel vm10, $0x1E62, v3;
	v4 =	vsel vm10, $0x1E63, v4  }
0x44: {  	v5 =	vsel vm10, $0x1E64, v5;
	v6 =	vsel vm10, $0x1E65, v6;
	v7 =	vsel vm10, $0x1E66, v7  }
0x45: {  	v8 =	vsel vm10, $0x1E67, v8;
	v9 =	vsel vm10, $0x5E60, v9;
	v10 =	vsel vm10, $0x5E61, v10  }
0x46: {  	v11 =	vsel vm10, $0x5E62, v11;
	v12 =	vsel vm10, $0x5E63, v12;
	v13 =	vsel vm10, $0x5E64, v13  }
0x47: {  	v14 =	vsel vm10, $0x5E65, v14;
	v15 =	vsel vm10, $0x5E66, v15;
	v16 =	vsel vm10, $0x5E67, v16  }
0x48: {  	v17 =	vsel vm10, $0x9E60, v17;
	v18 =	vsel vm10, $0x9E61, v18;
	v19 =	vsel vm10, $0x9E62, v19  }
0x49: {  	v20 =	vsel vm10, $0x9E63, v20;
	v21 =	vsel vm10, $0x9E64, v21;
	v22 =	vsel vm10, $0x9E65, v22  }
0x4a: {  	v23 =	vsel vm10, $0x9E66, v23;
	v24 =	vsel vm10, $0x9E67, v24;
	v25 =	vsel vm10, $0xDE60, v25  }
0x4b: {  	v26 =	vsel vm10, $0xDE61, v26;
	v27 =	vsel vm10, $0xDE62, v27;
	v28 =	vsel vm10, $0xDE63, v28  }
0x4c: {  	v29 =	vsel vm10, $0xDE64, v29;
	v30 =	vsel vm10, $0xDE65, v30;
	v31 =	vsel vm10, $0xDE66, v31  }
0x4d: {  	v32 =	vsel vm10, $0xDE67, v32;
	v33 =	vsel vm10, $0x200, v33;
	v35 =	vsel vm10, $0x4200, v35  }
0x4e: {  	v36 =	vsel vm10, $0x8200, v36;
	v37 =	vsel vm10, $0xC200, v37;
	v1 =	vsel vm9, $0x1EE0, v0  }
0x4f: {  	v0 =	vimm.f32 $1.001001000e-04;
	v2 =	vsel vm9, $0x1EE1, v2;
	v3 =	vsel vm9, $0x1EE2, v3  }
0x50: {  	v4 =	vsel vm9, $0x1EE3, v4;
	v5 =	vsel vm9, $0x1EE4, v5;
	v6 =	vsel vm9, $0x1EE5, v6  }
0x51: {  	v7 =	vsel vm9, $0x1EE6, v7;
	v8 =	vsel vm9, $0x1EE7, v8;
	v9 =	vsel vm9, $0x5EE0, v9  }
0x52: {  	v10 =	vsel vm9, $0x5EE1, v10;
	v11 =	vsel vm9, $0x5EE2, v11;
	v12 =	vsel vm9, $0x5EE3, v12  }
0x53: {  	v13 =	vsel vm9, $0x5EE4, v13;
	v14 =	vsel vm9, $0x5EE5, v14;
	v15 =	vsel vm9, $0x5EE6, v15  }
0x54: {  	v16 =	vsel vm9, $0x5EE7, v16;
	v17 =	vsel vm9, $0x9EE0, v17;
	v18 =	vsel vm9, $0x9EE1, v18  }
0x55: {  	v19 =	vsel vm9, $0x9EE2, v19;
	v20 =	vsel vm9, $0x9EE3, v20;
	v21 =	vsel vm9, $0x9EE4, v21  }
0x56: {  	v22 =	vsel vm9, $0x9EE5, v22;
	v23 =	vsel vm9, $0x9EE6, v23;
	v24 =	vsel vm9, $0x9EE7, v24  }
0x57: {  	v25 =	vsel vm9, $0xDEE0, v25;
	v26 =	vsel vm9, $0xDEE1, v26;
	v27 =	vsel vm9, $0xDEE2, v27  }
0x58: {  	v28 =	vsel vm9, $0xDEE3, v28;
	v29 =	vsel vm9, $0xDEE4, v29;
	v30 =	vsel vm9, $0xDEE5, v30  }
0x59: {  	v31 =	vsel vm9, $0xDEE6, v31;
	v32 =	vsel vm9, $0xDEE7, v32;
	v33 =	vsel vm9, $0x280, v33  }
0x5a: {  	v35 =	vsel vm9, $0x4280, v35;
	v36 =	vsel vm9, $0x8280, v36;
	v37 =	vsel vm9, $0xC280, v37  }
0x5b: {  	v1 =	vsel vm7, $0x1F60, v1;
	v2 =	vsel vm7, $0x1F61, v2;
	v3 =	vsel vm7, $0x1F62, v3  }
0x5c: {  	v4 =	vsel vm7, $0x1F63, v4;
	v5 =	vsel vm7, $0x1F64, v5;
	v6 =	vsel vm7, $0x1F65, v6  }
0x5d: {  	v7 =	vsel vm7, $0x1F66, v7;
	v8 =	vsel vm7, $0x1F67, v8;
	v9 =	vsel vm7, $0x5F60, v9  }
0x5e: {  	v10 =	vsel vm7, $0x5F61, v10;
	v11 =	vsel vm7, $0x5F62, v11;
	v12 =	vsel vm7, $0x5F63, v12  }
0x5f: {  	v13 =	vsel vm7, $0x5F64, v13;
	v14 =	vsel vm7, $0x5F65, v14;
	v15 =	vsel vm7, $0x5F66, v15  }
0x60: {  	v16 =	vsel vm7, $0x5F67, v16;
	v17 =	vsel vm7, $0x9F60, v17;
	v18 =	vsel vm7, $0x9F61, v18  }
0x61: {  	v19 =	vsel vm7, $0x9F62, v19;
	v20 =	vsel vm7, $0x9F63, v20;
	v21 =	vsel vm7, $0x9F64, v21  }
0x62: {  	v22 =	vsel vm7, $0x9F65, v22;
	v23 =	vsel vm7, $0x9F66, v23;
	v24 =	vsel vm7, $0x9F67, v24  }
0x63: {  	v25 =	vsel vm7, $0xDF60, v25;
	v26 =	vsel vm7, $0xDF61, v26;
	v27 =	vsel vm7, $0xDF62, v27  }
0x64: {  	v28 =	vsel vm7, $0xDF63, v28;
	v29 =	vsel vm7, $0xDF64, v29;
	v30 =	vsel vm7, $0xDF65, v30  }
0x65: {  	v31 =	vsel vm7, $0xDF66, v31;
	v32 =	vsel vm7, $0xDF67, v32;
	v33 =	vsel vm7, $0x300, v33  }
0x66: {  	v35 =	vsel vm7, $0x4300, v35;
	v36 =	vsel vm7, $0x8300, v36;
	v37 =	vsel vm7, $0xC300, v37  }
0x67: {  	v1 =	vsel vm6, $0x1FE0, v1;
	v2 =	vsel vm6, $0x1FE1, v2;
	v3 =	vsel vm6, $0x1FE2, v3  }
0x68: {  	v4 =	vsel vm6, $0x1FE3, v4;
	v5 =	vsel vm6, $0x1FE4, v5;
	v6 =	vsel vm6, $0x1FE5, v6  }
0x69: {  	v7 =	vsel vm6, $0x1FE6, v7;
	v8 =	vsel vm6, $0x1FE7, v8;
	v9 =	vsel vm6, $0x5FE0, v9  }
0x6a: {  	v10 =	vsel vm6, $0x5FE1, v10;
	v11 =	vsel vm6, $0x5FE2, v11;
	v12 =	vsel vm6, $0x5FE3, v12  }
0x6b: {  	v13 =	vsel vm6, $0x5FE4, v13;
	v14 =	vsel vm6, $0x5FE5, v14;
	v15 =	vsel vm6, $0x5FE6, v15  }
0x6c: {  	v16 =	vsel vm6, $0x5FE7, v16;
	v17 =	vsel vm6, $0x9FE0, v17;
	v18 =	vsel vm6, $0x9FE1, v18  }
0x6d: {  	v19 =	vsel vm6, $0x9FE2, v19;
	v20 =	vsel vm6, $0x9FE3, v20;
	v21 =	vsel vm6, $0x9FE4, v21  }
0x6e: {  	v22 =	vsel vm6, $0x9FE5, v22;
	v23 =	vsel vm6, $0x9FE6, v23;
	v24 =	vsel vm6, $0x9FE7, v24  }
0x6f: {  	v25 =	vsel vm6, $0xDFE0, v25;
	v26 =	vsel vm6, $0xDFE1, v26;
	v27 =	vsel vm6, $0xDFE2, v27  }
0x70: {  	v28 =	vsel vm6, $0xDFE3, v28;
	v29 =	vsel vm6, $0xDFE4, v29;
	v30 =	vsel vm6, $0xDFE5, v30  }
0x71: {  	v31 =	vsel vm6, $0xDFE6, v31;
	v32 =	vsel vm6, $0xDFE7, v32;
	v33 =	vsel vm6, $0x380, v33  }
0x72: {  	v35 =	vsel vm6, $0x4380, v35;
	v36 =	vsel vm6, $0x8380, v36;
	v37 =	vsel vm6, $0xC380, v37  }
0x73: {  	v1 =	vsel vm0, $0x3C60, v1;
	v2 =	vsel vm0, $0x3C61, v2;
	v3 =	vsel vm0, $0x3C62, v3  }
0x74: {  	v4 =	vsel vm0, $0x3C63, v4;
	v5 =	vsel vm0, $0x3C64, v5;
	v6 =	vsel vm0, $0x3C65, v6  }
0x75: {  	v7 =	vsel vm0, $0x3C66, v7;
	v8 =	vsel vm0, $0x3C67, v8;
	v9 =	vsel vm0, $0x7C60, v9  }
0x76: {  	v10 =	vsel vm0, $0x7C61, v10;
	v11 =	vsel vm0, $0x7C62, v11;
	v12 =	vsel vm0, $0x7C63, v12  }
0x77: {  	v13 =	vsel vm0, $0x7C64, v13;
	v14 =	vsel vm0, $0x7C65, v14;
	v15 =	vsel vm0, $0x7C66, v15  }
0x78: {  	v16 =	vsel vm0, $0x7C67, v16;
	v17 =	vsel vm0, $0xBC60, v17;
	v18 =	vsel vm0, $0xBC61, v18  }
0x79: {  	v19 =	vsel vm0, $0xBC62, v19;
	v20 =	vsel vm0, $0xBC63, v20;
	v21 =	vsel vm0, $0xBC64, v21  }
0x7a: {  	v22 =	vsel vm0, $0xBC65, v22;
	v23 =	vsel vm0, $0xBC66, v23;
	v24 =	vsel vm0, $0xBC67, v24  }
0x7b: {  	v25 =	vsel vm0, $0xFC60, v25;
	v26 =	vsel vm0, $0xFC61, v26;
	v27 =	vsel vm0, $0xFC62, v27  }
0x7c: {  	v28 =	vsel vm0, $0xFC63, v28;
	v29 =	vsel vm0, $0xFC64, v29;
	v30 =	vsel vm0, $0xFC65, v30  }
0x7d: {  	v31 =	vsel vm0, $0xFC66, v31;
	v32 =	vsel vm0, $0xFC67, v32;
	v33 =	vsel vm0, $0x2000, v33  }
0x7e: {  	v35 =	vsel vm0, $0x6000, v35;
	v36 =	vsel vm0, $0xA000, v36;
	v37 =	vsel vm0, $0xE000, v37  }
0x7f: {  	v1 =	vsel vm1, $0x3CE0, v1;
	v2 =	vsel vm1, $0x3CE1, v2;
	v3 =	vsel vm1, $0x3CE2, v3  }
0x80: {  	v4 =	vsel vm1, $0x3CE3, v4;
	v5 =	vsel vm1, $0x3CE4, v5;
	v6 =	vsel vm1, $0x3CE5, v6  }
0x81: {  	v7 =	vsel vm1, $0x3CE6, v7;
	v8 =	vsel vm1, $0x3CE7, v8;
	v9 =	vsel vm1, $0x7CE0, v9  }
0x82: {  	v10 =	vsel vm1, $0x7CE1, v10;
	v11 =	vsel vm1, $0x7CE2, v11;
	v12 =	vsel vm1, $0x7CE3, v12  }
0x83: {  	v13 =	vsel vm1, $0x7CE4, v13;
	v14 =	vsel vm1, $0x7CE5, v14;
	v15 =	vsel vm1, $0x7CE6, v15  }
0x84: {  	v16 =	vsel vm1, $0x7CE7, v16;
	v17 =	vsel vm1, $0xBCE0, v17;
	v18 =	vsel vm1, $0xBCE1, v18  }
0x85: {  	v19 =	vsel vm1, $0xBCE2, v19;
	v20 =	vsel vm1, $0xBCE3, v20;
	v21 =	vsel vm1, $0xBCE4, v21  }
0x86: {  	v22 =	vsel vm1, $0xBCE5, v22;
	v23 =	vsel vm1, $0xBCE6, v23;
	v24 =	vsel vm1, $0xBCE7, v24  }
0x87: {  	v25 =	vsel vm1, $0xFCE0, v25;
	v26 =	vsel vm1, $0xFCE1, v26;
	v27 =	vsel vm1, $0xFCE2, v27  }
0x88: {  	v28 =	vsel vm1, $0xFCE3, v28;
	v29 =	vsel vm1, $0xFCE4, v29;
	v30 =	vsel vm1, $0xFCE5, v30  }
0x89: {  	v31 =	vsel vm1, $0xFCE6, v31;
	v32 =	vsel vm1, $0xFCE7, v32;
	v33 =	vsel vm1, $0x2080, v33  }
0x8a: {  	v35 =	vsel vm1, $0x6080, v35;
	v36 =	vsel vm1, $0xA080, v36;
	v37 =	vsel vm1, $0xE080, v37  }
0x8b: {  	v1 =	vsel vm2, $0x3D60, v1;
	v2 =	vsel vm2, $0x3D61, v2;
	v3 =	vsel vm2, $0x3D62, v3  }
0x8c: {  	v4 =	vsel vm2, $0x3D63, v4;
	v5 =	vsel vm2, $0x3D64, v5;
	v6 =	vsel vm2, $0x3D65, v6  }
0x8d: {  	v7 =	vsel vm2, $0x3D66, v7;
	v8 =	vsel vm2, $0x3D67, v8;
	v9 =	vsel vm2, $0x7D60, v9  }
0x8e: {  	v10 =	vsel vm2, $0x7D61, v10;
	v11 =	vsel vm2, $0x7D62, v11;
	v12 =	vsel vm2, $0x7D63, v12  }
0x8f: {  	v13 =	vsel vm2, $0x7D64, v13;
	v14 =	vsel vm2, $0x7D65, v14;
	v15 =	vsel vm2, $0x7D66, v15  }
0x90: {  	v16 =	vsel vm2, $0x7D67, v16;
	v17 =	vsel vm2, $0xBD60, v17;
	v18 =	vsel vm2, $0xBD61, v18  }
0x91: {  	v19 =	vsel vm2, $0xBD62, v19;
	v20 =	vsel vm2, $0xBD63, v20;
	v21 =	vsel vm2, $0xBD64, v21  }
0x92: {  	v22 =	vsel vm2, $0xBD65, v22;
	v23 =	vsel vm2, $0xBD66, v23;
	v24 =	vsel vm2, $0xBD67, v24  }
0x93: {  	v25 =	vsel vm2, $0xFD60, v25;
	v26 =	vsel vm2, $0xFD61, v26;
	v27 =	vsel vm2, $0xFD62, v27  }
0x94: {  	v28 =	vsel vm2, $0xFD63, v28;
	v29 =	vsel vm2, $0xFD64, v29;
	v30 =	vsel vm2, $0xFD65, v30  }
0x95: {  	v31 =	vsel vm2, $0xFD66, v31;
	v32 =	vsel vm2, $0xFD67, v32;
	v33 =	vsel vm2, $0x2100, v33  }
0x96: {  	v35 =	vsel vm2, $0x6100, v35;
	v36 =	vsel vm2, $0xA100, v36;
	v37 =	vsel vm2, $0xE100, v37  }
0x97: {  	v1 =	vsel vm3, $0x3DE0, v1;
	v2 =	vsel vm3, $0x3DE1, v2;
	v3 =	vsel vm3, $0x3DE2, v3  }
0x98: {  	v4 =	vsel vm3, $0x3DE3, v4;
	v5 =	vsel vm3, $0x3DE4, v5;
	v6 =	vsel vm3, $0x3DE5, v6  }
0x99: {  	v7 =	vsel vm3, $0x3DE6, v7;
	v8 =	vsel vm3, $0x3DE7, v8;
	v9 =	vsel vm3, $0x7DE0, v9  }
0x9a: {  	v10 =	vsel vm3, $0x7DE1, v10;
	v11 =	vsel vm3, $0x7DE2, v11;
	v12 =	vsel vm3, $0x7DE3, v12  }
0x9b: {  	v13 =	vsel vm3, $0x7DE4, v13;
	v14 =	vsel vm3, $0x7DE5, v14;
	v15 =	vsel vm3, $0x7DE6, v15  }
0x9c: {  	v16 =	vsel vm3, $0x7DE7, v16;
	v17 =	vsel vm3, $0xBDE0, v17;
	v18 =	vsel vm3, $0xBDE1, v18  }
0x9d: {  	v19 =	vsel vm3, $0xBDE2, v19;
	v20 =	vsel vm3, $0xBDE3, v20;
	v21 =	vsel vm3, $0xBDE4, v21  }
0x9e: {  	v22 =	vsel vm3, $0xBDE5, v22;
	v23 =	vsel vm3, $0xBDE6, v23;
	v24 =	vsel vm3, $0xBDE7, v24  }
0x9f: {  	v25 =	vsel vm3, $0xFDE0, v25;
	v26 =	vsel vm3, $0xFDE1, v26;
	v27 =	vsel vm3, $0xFDE2, v27  }
0xa0: {  	v28 =	vsel vm3, $0xFDE3, v28;
	v29 =	vsel vm3, $0xFDE4, v29;
	v30 =	vsel vm3, $0xFDE5, v30  }
0xa1: {  	v31 =	vsel vm3, $0xFDE6, v31;
	v32 =	vsel vm3, $0xFDE7, v32;
	v33 =	vsel vm3, $0x2180, v33  }
0xa2: {  	v35 =	vsel vm3, $0x6180, v35;
	v36 =	vsel vm3, $0xA180, v36;
	v37 =	vsel vm3, $0xE180, v37  }
0xa3: {  	v1 =	vsel vm4, $0x3E60, v1;
	v2 =	vsel vm4, $0x3E61, v2;
	v3 =	vsel vm4, $0x3E62, v3  }
0xa4: {  	v4 =	vsel vm4, $0x3E63, v4;
	v5 =	vsel vm4, $0x3E64, v5;
	v6 =	vsel vm4, $0x3E65, v6  }
0xa5: {  	v7 =	vsel vm4, $0x3E66, v7;
	v8 =	vsel vm4, $0x3E67, v8;
	v9 =	vsel vm4, $0x7E60, v9  }
0xa6: {  	v10 =	vsel vm4, $0x7E61, v10;
	v11 =	vsel vm4, $0x7E62, v11;
	v12 =	vsel vm4, $0x7E63, v12  }
0xa7: {  	v13 =	vsel vm4, $0x7E64, v13;
	v14 =	vsel vm4, $0x7E65, v14;
	v15 =	vsel vm4, $0x7E66, v15  }
0xa8: {  	v16 =	vsel vm4, $0x7E67, v16;
	v17 =	vsel vm4, $0xBE60, v17;
	v18 =	vsel vm4, $0xBE61, v18  }
0xa9: {  	v19 =	vsel vm4, $0xBE62, v19;
	v20 =	vsel vm4, $0xBE63, v20;
	v21 =	vsel vm4, $0xBE64, v21  }
0xaa: {  	v22 =	vsel vm4, $0xBE65, v22;
	v23 =	vsel vm4, $0xBE66, v23;
	v24 =	vsel vm4, $0xBE67, v24  }
0xab: {  	v25 =	vsel vm4, $0xFE60, v25;
	v26 =	vsel vm4, $0xFE61, v26;
	v27 =	vsel vm4, $0xFE62, v27  }
0xac: {  	v28 =	vsel vm4, $0xFE63, v28;
	v29 =	vsel vm4, $0xFE64, v29;
	v30 =	vsel vm4, $0xFE65, v30  }
0xad: {  	v31 =	vsel vm4, $0xFE66, v31;
	v32 =	vsel vm4, $0xFE67, v32;
	v33 =	vsel vm4, $0x2200, v33  }
0xae: {  	v35 =	vsel vm4, $0x6200, v35;
	v36 =	vsel vm4, $0xA200, v36;
	v37 =	vsel vm4, $0xE200, v37  }
0xaf: {  	v1 =	vsel vm5, $0x3EE0, v1;
	v2 =	vsel vm5, $0x3EE1, v2;
	v3 =	vsel vm5, $0x3EE2, v3  }
0xb0: {  	v4 =	vsel vm5, $0x3EE3, v4;
	v5 =	vsel vm5, $0x3EE4, v5;
	v6 =	vsel vm5, $0x3EE5, v6  }
0xb1: {  	v7 =	vsel vm5, $0x3EE6, v7;
	v8 =	vsel vm5, $0x3EE7, v8;
	v9 =	vsel vm5, $0x7EE0, v9  }
0xb2: {  	v10 =	vsel vm5, $0x7EE1, v10;
	v11 =	vsel vm5, $0x7EE2, v11;
	v12 =	vsel vm5, $0x7EE3, v12  }
0xb3: {  	v13 =	vsel vm5, $0x7EE4, v13;
	v14 =	vsel vm5, $0x7EE5, v14;
	v15 =	vsel vm5, $0x7EE6, v15  }
0xb4: {  	v16 =	vsel vm5, $0x7EE7, v16;
	v17 =	vsel vm5, $0xBEE0, v17;
	v18 =	vsel vm5, $0xBEE1, v18  }
0xb5: {  	v19 =	vsel vm5, $0xBEE2, v19;
	v20 =	vsel vm5, $0xBEE3, v20;
	v21 =	vsel vm5, $0xBEE4, v21  }
0xb6: {  	v22 =	vsel vm5, $0xBEE5, v22;
	v23 =	vsel vm5, $0xBEE6, v23;
	v24 =	vsel vm5, $0xBEE7, v24  }
0xb7: {  	v25 =	vsel vm5, $0xFEE0, v25;
	v26 =	vsel vm5, $0xFEE1, v26;
	v27 =	vsel vm5, $0xFEE2, v27  }
0xb8: {  	v28 =	vsel vm5, $0xFEE3, v28;
	v29 =	vsel vm5, $0xFEE4, v29;
	v30 =	vsel vm5, $0xFEE5, v30  }
0xb9: {  	v31 =	vsel vm5, $0xFEE6, v31;
	v32 =	vsel vm5, $0xFEE7, v32;
	v33 =	vsel vm5, $0x2280, v33  }
0xba: {  	v35 =	vsel vm5, $0x6280, v35;
	v36 =	vsel vm5, $0xA280, v36;
	v37 =	vsel vm5, $0xE280, v37  }
0xbb: {  	v1 =	vsel vm8, $0x3F60, v1;
	v2 =	vsel vm8, $0x3F61, v2;
	v3 =	vsel vm8, $0x3F62, v3  }
0xbc: {  	s3 =	rddreg [dreg:$0x0];
	v4 =	vsel vm8, $0x3F63, v4;
	v5 =	vsel vm8, $0x3F64, v5;
	v6 =	vsel vm8, $0x3F65, v6  }
0xbd: {  	s4 =	rddreg [dreg:$0x1];
	v7 =	vsel vm8, $0x3F66, v7;
	v8 =	vsel vm8, $0x3F67, v8;
	v9 =	vsel vm8, $0x7F60, v9  }
0xbe: {  	s0 =	rddreg [dreg:$0x2];
	s1 =	simm.s32 $0x0;
	v10 =	vsel vm8, $0x7F61, v10;
	v11 =	vsel vm8, $0x7F62, v11;
	v12 =	vsel vm8, $0x7F63, v12  }
0xbf: {  	s2 =	stileid.u32;
	s6 =	srdreg.scid;
	s10 =	simm.s32 $0x3;
	v13 =	vsel vm8, $0x7F64, v13;
	v14 =	vsel vm8, $0x7F65, v14;
	v15 =	vsel vm8, $0x7F66, v15  }
0xc0: {  	s11 =	simm.s32 $0x0;
	[smem:$0x7FF] =	sst s1;
	s5 =	smul.u32 $0x70000, s2;
	v16 =	vsel vm8, $0x7F67, v16;
	v17 =	vsel vm8, $0xBF60, v17;
	v18 =	vsel vm8, $0xBF61, v18  }
0xc1: {  	s6 =	sand.u32 $0x1, s6;
	s9 =	sshll.u32 s2, $0xA;
	_ =	strace $0x80000047;
	v19 =	vsel vm8, $0xBF62, v19;
	v20 =	vsel vm8, $0xBF63, v20;
	v21 =	vsel vm8, $0xBF64, v21  }
0xc2: {  	s31 =	ssub.s32 $0x2, s6;
	s7 =	smul.u32 $0x38000, s6;
	s6 =	sshll.u32 s6, $0x9;
	v22 =	vsel vm8, $0xBF65, v22;
	v23 =	vsel vm8, $0xBF66, v23;
	v24 =	vsel vm8, $0xBF67, v24  }
0xc3: {  	s4 =	sadd.s32 s5, s4;
	s8 =	sshrl.u32 s31, $0x1;
	s6 =	sor.u32 s6, s9;
	v25 =	vsel vm8, $0xFF60, v25;
	v26 =	vsel vm8, $0xFF61, v26;
	v27 =	vsel vm8, $0xFF62, v27  }
0xc4: {  	s9 =	simm.s32 $0x2;
	s5 =	ssub.s32 s31, s8;
	s7 =	sadd.s32 s7, s4;
	v28 =	vsel vm8, $0xFF63, v28;
	v29 =	vsel vm8, $0xFF64, v29;
	v30 =	vsel vm8, $0xFF65, v30  }
0xc5: {  	s3 =	sadd.s32 s3, s6;
	s6 =	simm.s32 $0x1;
	s8 =	simm.s32 $0xF000;
	v31 =	vsel vm8, $0xFF66, v31;
	v32 =	vsel vm8, $0xFF67, v32;
	v33 =	vsel vm8, $0x2300, v33  }
0xc6: {  	s4 =	smax.u32 s5, $0x1;
	s5 =	sadd.s32 $0x400, s7;
	s7 =	simm.s32 $0x1000;
	v35 =	vsel vm8, $0x6300, v35;
	v36 =	vsel vm8, $0xA300, v36;
	v37 =	vsel vm8, $0xE300, v37  }
.LBB2_1:
0xc7: {  	[tilespmem:s1], [sflag:$0x1] =	stream.linear.gather [hbm4b:s3+s1], $0x1000, $0x38;
	[tilespmem:$0x1D000] =	vst v63  }
0xc8: {  	_ =	swait.ge [sflag:s6], $0x1000  }
0xc9: {  	s12 =	simm.s32 $0xFFFF3800;
	s13 =	simm.s32 $0x0;
	[sflag:s6] =	ssyncset.done $0x0  }
0xca: {  	s14 =	simm.s32 $0x0;
	s15 =	simm.s32 $0x0;
	[sflag:s6] =	ssyncadd.s32 $0xFFFFF000  }
.LBB2_2:
0xcb: {  	s16 =	sadd.s32 $0xC800, s12  }
0xcc: {  	s17 =	sand.u32 $0x380, s15;
	s16 =	sand.u32 $0xE000, s16  }
0xcd: {  	s16 =	sor.u32 s17, s16  }
0xce: {  	[tilespmem:s16+$0x1000] =	vst v0  }
0xcf: {  	[tilespmem:s16+$0x1010] =	vst v0  }
0xd0: {  	[tilespmem:s16+$0x1020] =	vst v0  }
0xd1: {  	[tilespmem:s16+$0x1030] =	vst v0  }
0xd2: {  	[tilespmem:s16+$0x1040] =	vst v0  }
0xd3: {  	[tilespmem:s16+$0x1050] =	vst v0  }
0xd4: {  	[tilespmem:s16+$0x1060] =	vst v0  }
0xd5: {  	[tilespmem:s16+$0x1070] =	vst v0  }
0xd6: {  	[tilespmem:s16+$0x1400] =	vst v0  }
0xd7: {  	[tilespmem:s16+$0x1410] =	vst v0  }
0xd8: {  	[tilespmem:s16+$0x1420] =	vst v0  }
0xd9: {  	[tilespmem:s16+$0x1430] =	vst v0  }
0xda: {  	[tilespmem:s16+$0x1440] =	vst v0  }
0xdb: {  	[tilespmem:s16+$0x1450] =	vst v0  }
0xdc: {  	[tilespmem:s16+$0x1460] =	vst v0  }
0xdd: {  	[tilespmem:s16+$0x1470] =	vst v0  }
0xde: {  	[tilespmem:s16+$0x1800] =	vst v0  }
0xdf: {  	[tilespmem:s16+$0x1810] =	vst v0  }
0xe0: {  	[tilespmem:s16+$0x1820] =	vst v0  }
0xe1: {  	[tilespmem:s16+$0x1830] =	vst v0  }
0xe2: {  	[tilespmem:s16+$0x1840] =	vst v0  }
0xe3: {  	[tilespmem:s16+$0x1850] =	vst v0  }
0xe4: {  	[tilespmem:s16+$0x1860] =	vst v0  }
0xe5: {  	[tilespmem:s16+$0x1870] =	vst v0  }
0xe6: {  	[tilespmem:s16+$0x1C00] =	vst v0  }
0xe7: {  	[tilespmem:s16+$0x1C10] =	vst v0  }
0xe8: {  	[tilespmem:s16+$0x1C20] =	vst v0  }
0xe9: {  	[tilespmem:s16+$0x1C30] =	vst v0  }
0xea: {  	[tilespmem:s16+$0x1C40] =	vst v0  }
0xeb: {  	[tilespmem:s16+$0x1C50] =	vst v0  }
0xec: {  	[tilespmem:s16+$0x1C60] =	vst v0  }
0xed: {  	[tilespmem:s16+$0x1C70] =	vst v0  }
0xee: {  	[tilespmem:s16+$0x2000] =	vst v0  }
0xef: {  	[tilespmem:s16+$0x2010] =	vst v0  }
0xf0: {  	[tilespmem:s16+$0x2020] =	vst v0  }
0xf1: {  	[tilespmem:s16+$0x2030] =	vst v0  }
0xf2: {  	[tilespmem:s16+$0x2040] =	vst v0  }
0xf3: {  	[tilespmem:s16+$0x2050] =	vst v0  }
0xf4: {  	[tilespmem:s16+$0x2060] =	vst v0  }
0xf5: {  	[tilespmem:s16+$0x2070] =	vst v0  }
0xf6: {  	[tilespmem:s16+$0x2400] =	vst v0  }
0xf7: {  	[tilespmem:s16+$0x2410] =	vst v0  }
0xf8: {  	[tilespmem:s16+$0x2420] =	vst v0  }
0xf9: {  	[tilespmem:s16+$0x2430] =	vst v0  }
0xfa: {  	[tilespmem:s16+$0x2440] =	vst v0  }
0xfb: {  	[tilespmem:s16+$0x2450] =	vst v0  }
0xfc: {  	[tilespmem:s16+$0x2460] =	vst v0  }
0xfd: {  	[tilespmem:s16+$0x2470] =	vst v0  }
0xfe: {  	[tilespmem:s16+$0x2800] =	vst v0  }
0xff: {  	[tilespmem:s16+$0x2810] =	vst v0  }
0x100: {  	[tilespmem:s16+$0x2820] =	vst v0  }
0x101: {  	[tilespmem:s16+$0x2830] =	vst v0  }
0x102: {  	s24 =	sand.u32 $0x7, s13;
	[tilespmem:s16+$0x2840] =	vst v0  }
0x103: {  	s17 =	sshll.u32 s24, $0x7;
	[tilespmem:s16+$0x2850] =	vst v0  }
0x104: {  	s17 =	sadd.s32 s17, s14;
	[tilespmem:s16+$0x2860] =	vst v0  }
0x105: {  	[tilespmem:s16+$0x2870] =	vst v0;
	s25 =	sor.u32 $0x1C00, s17  }
0x106: {  	p0 =	sne.s32 s15, $0x1880;
	s26 =	sor.u32 $0x1C10, s17;
	[tilespmem:s25+$0x1000] =	vst v0  }
.Ltmp0:
0x107: {  	s28 =	sor.u32 $0x1C20, s17;
	[tilespmem:s26+$0x1000] =	vst v0;
	(pc) =	sbr.rel @p0 .LBB2_2-.Ltmp0, $4  }
0x108: {  	s29 =	sor.u32 $0x1C30, s17;
	[tilespmem:s28+$0x1000] =	vst v0  }
0x109: {  	s30 =	sor.u32 $0x1C40, s17;
	[tilespmem:s29+$0x1000] =	vst v0  }
0x10a: {  	s13 =	sadd.s32 $0x1, s13;
	s31 =	sor.u32 $0x1C50, s17;
	[tilespmem:s30+$0x1000] =	vst v0  }
0x10b: {  	s12 =	sadd.s32 $0x400, s12;
	s15 =	sadd.s32 $0x80, s15;
	s14 =	sadd.s32 $0x400, s14;
	[tilespmem:s31+$0x1000] =	vst v0  }
0x10c: {  	_ =	sdelay $0x3  }
0x10d: {  	[tilespmem:v1+s7+$0x0] =	vst.idx.msk $0xffff, v0  }
0x10e: {  	[tilespmem:v2+s7+$0x0] =	vst.idx.msk $0xffff, v0  }
0x10f: {  	[tilespmem:v3+s7+$0x0] =	vst.idx.msk $0xffff, v0  }
0x110: {  	[tilespmem:v4+s7+$0x0] =	vst.idx.msk $0xffff, v0  }
0x111: {  	[tilespmem:v5+s7+$0x0] =	vst.idx.msk $0xffff, v0  }
0x112: {  	[tilespmem:v6+s7+$0x0] =	vst.idx.msk $0xffff, v0  }
0x113: {  	[tilespmem:v7+s7+$0x0] =	vst.idx.msk $0xffff, v0  }
0x114: {  	[tilespmem:v8+s7+$0x0] =	vst.idx.msk $0xffff, v0  }
0x115: {  	[tilespmem:v9+s7+$0x0] =	vst.idx.msk $0xffff, v0  }
0x116: {  	[tilespmem:v10+s7+$0x0] =	vst.idx.msk $0xffff, v0  }
0x117: {  	[tilespmem:v11+s7+$0x0] =	vst.idx.msk $0xffff, v0  }
0x118: {  	[tilespmem:v12+s7+$0x0] =	vst.idx.msk $0xffff, v0  }
0x119: {  	[tilespmem:v13+s7+$0x0] =	vst.idx.msk $0xffff, v0  }
0x11a: {  	[tilespmem:v14+s7+$0x0] =	vst.idx.msk $0xffff, v0  }
0x11b: {  	[tilespmem:v15+s7+$0x0] =	vst.idx.msk $0xffff, v0  }
0x11c: {  	[tilespmem:v16+s7+$0x0] =	vst.idx.msk $0xffff, v0  }
0x11d: {  	[tilespmem:v17+s7+$0x0] =	vst.idx.msk $0xffff, v0  }
0x11e: {  	[tilespmem:v18+s7+$0x0] =	vst.idx.msk $0xffff, v0  }
0x11f: {  	[tilespmem:v19+s7+$0x0] =	vst.idx.msk $0xffff, v0  }
0x120: {  	[tilespmem:v20+s7+$0x0] =	vst.idx.msk $0xffff, v0  }
0x121: {  	[tilespmem:v21+s7+$0x0] =	vst.idx.msk $0xffff, v0  }
0x122: {  	[tilespmem:v22+s7+$0x0] =	vst.idx.msk $0xffff, v0  }
0x123: {  	[tilespmem:v23+s7+$0x0] =	vst.idx.msk $0xffff, v0  }
0x124: {  	[tilespmem:v24+s7+$0x0] =	vst.idx.msk $0xffff, v0  }
0x125: {  	[tilespmem:v25+s7+$0x0] =	vst.idx.msk $0x3, v0  }
0x126: {  	[tilespmem:v26+s7+$0x0] =	vst.idx.msk $0x3, v0  }
0x127: {  	[tilespmem:v27+s7+$0x0] =	vst.idx.msk $0x3, v0  }
0x128: {  	[tilespmem:v28+s7+$0x0] =	vst.idx.msk $0x3, v0  }
0x129: {  	[tilespmem:v29+s7+$0x0] =	vst.idx.msk $0x3, v0  }
0x12a: {  	[tilespmem:v30+s7+$0x0] =	vst.idx.msk $0x3, v0  }
0x12b: {  	s12 =	simm.s32 $0x0;
	[tilespmem:v31+s7+$0x0] =	vst.idx.msk $0x3, v0  }
0x12c: {  	s13 =	simm.s32 $0xFFFF3800;
	s14 =	simm.s32 $0x0;
	s15 =	simm.s32 $0x0;
	[tilespmem:v32+s7+$0x0] =	vst.idx.msk $0x3, v0  }
.LBB2_4:
0x12d: {  	s16 =	sadd.s32 $0xC800, s13  }
0x12e: {  	s17 =	sand.u32 $0x380, s15;
	s16 =	sand.u32 $0xE000, s16  }
0x12f: {  	s16 =	sor.u32 s17, s16  }
0x130: {  	[tilespmem:s16+$0xF000] =	vst v0  }
0x131: {  	[tilespmem:s16+$0xF010] =	vst v0  }
0x132: {  	[tilespmem:s16+$0xF020] =	vst v0  }
0x133: {  	[tilespmem:s16+$0xF030] =	vst v0  }
0x134: {  	[tilespmem:s16+$0xF040] =	vst v0  }
0x135: {  	[tilespmem:s16+$0xF050] =	vst v0  }
0x136: {  	[tilespmem:s16+$0xF060] =	vst v0  }
0x137: {  	[tilespmem:s16+$0xF070] =	vst v0  }
0x138: {  	[tilespmem:s16+$0xF400] =	vst v0  }
0x139: {  	[tilespmem:s16+$0xF410] =	vst v0  }
0x13a: {  	[tilespmem:s16+$0xF420] =	vst v0  }
0x13b: {  	[tilespmem:s16+$0xF430] =	vst v0  }
0x13c: {  	[tilespmem:s16+$0xF440] =	vst v0  }
0x13d: {  	[tilespmem:s16+$0xF450] =	vst v0  }
0x13e: {  	[tilespmem:s16+$0xF460] =	vst v0  }
0x13f: {  	[tilespmem:s16+$0xF470] =	vst v0  }
0x140: {  	[tilespmem:s16+$0xF800] =	vst v0  }
0x141: {  	[tilespmem:s16+$0xF810] =	vst v0  }
0x142: {  	[tilespmem:s16+$0xF820] =	vst v0  }
0x143: {  	[tilespmem:s16+$0xF830] =	vst v0  }
0x144: {  	[tilespmem:s16+$0xF840] =	vst v0  }
0x145: {  	[tilespmem:s16+$0xF850] =	vst v0  }
0x146: {  	[tilespmem:s16+$0xF860] =	vst v0  }
0x147: {  	[tilespmem:s16+$0xF870] =	vst v0  }
0x148: {  	[tilespmem:s16+$0xFC00] =	vst v0  }
0x149: {  	[tilespmem:s16+$0xFC10] =	vst v0  }
0x14a: {  	[tilespmem:s16+$0xFC20] =	vst v0  }
0x14b: {  	[tilespmem:s16+$0xFC30] =	vst v0  }
0x14c: {  	[tilespmem:s16+$0xFC40] =	vst v0  }
0x14d: {  	[tilespmem:s16+$0xFC50] =	vst v0  }
0x14e: {  	[tilespmem:s16+$0xFC60] =	vst v0  }
0x14f: {  	s17 =	sadd.s32 $0xF000, s16;
	[tilespmem:s16+$0xFC70] =	vst v0  }
0x150: {  	[tilespmem:s17+$0x1000] =	vst v0  }
0x151: {  	[tilespmem:s17+$0x1010] =	vst v0  }
0x152: {  	[tilespmem:s17+$0x1020] =	vst v0  }
0x153: {  	[tilespmem:s17+$0x1030] =	vst v0  }
0x154: {  	[tilespmem:s17+$0x1040] =	vst v0  }
0x155: {  	[tilespmem:s17+$0x1050] =	vst v0  }
0x156: {  	[tilespmem:s17+$0x1060] =	vst v0  }
0x157: {  	[tilespmem:s17+$0x1070] =	vst v0  }
0x158: {  	[tilespmem:s17+$0x1400] =	vst v0  }
0x159: {  	[tilespmem:s17+$0x1410] =	vst v0  }
0x15a: {  	[tilespmem:s17+$0x1420] =	vst v0  }
0x15b: {  	[tilespmem:s17+$0x1430] =	vst v0  }
0x15c: {  	[tilespmem:s17+$0x1440] =	vst v0  }
0x15d: {  	[tilespmem:s17+$0x1450] =	vst v0  }
0x15e: {  	[tilespmem:s17+$0x1460] =	vst v0  }
0x15f: {  	[tilespmem:s17+$0x1470] =	vst v0  }
0x160: {  	[tilespmem:s17+$0x1800] =	vst v0  }
0x161: {  	[tilespmem:s17+$0x1810] =	vst v0  }
0x162: {  	[tilespmem:s17+$0x1820] =	vst v0  }
0x163: {  	[tilespmem:s17+$0x1830] =	vst v0  }
0x164: {  	s25 =	sand.u32 $0x7, s12;
	[tilespmem:s17+$0x1840] =	vst v0  }
0x165: {  	s16 =	sshll.u32 s25, $0x7;
	[tilespmem:s17+$0x1850] =	vst v0  }
0x166: {  	s16 =	sadd.s32 s16, s14;
	[tilespmem:s17+$0x1860] =	vst v0  }
0x167: {  	[tilespmem:s17+$0x1870] =	vst v0;
	s26 =	sor.u32 $0x1C00, s16  }
0x168: {  	p0 =	sne.s32 s15, $0x1880;
	s28 =	sor.u32 $0x1C10, s16;
	[tilespmem:s26+$0xF000] =	vst v0  }
.Ltmp1:
0x169: {  	s29 =	sor.u32 $0x1C20, s16;
	[tilespmem:s28+$0xF000] =	vst v0;
	(pc) =	sbr.rel @p0 .LBB2_4-.Ltmp1, $4  }
0x16a: {  	s30 =	sor.u32 $0x1C30, s16;
	[tilespmem:s29+$0xF000] =	vst v0  }
0x16b: {  	s31 =	sor.u32 $0x1C40, s16;
	[tilespmem:s30+$0xF000] =	vst v0  }
0x16c: {  	s12 =	sadd.s32 $0x1, s12;
	s16 =	sor.u32 $0x1C50, s16;
	[tilespmem:s31+$0xF000] =	vst v0  }
0x16d: {  	s13 =	sadd.s32 $0x400, s13;
	s15 =	sadd.s32 $0x80, s15;
	s14 =	sadd.s32 $0x400, s14;
	[tilespmem:s16+$0xF000] =	vst v0  }
0x16e: {  	_ =	sdelay $0x3  }
0x16f: {  	[tilespmem:v1+s8+$0x0] =	vst.idx.msk $0xffff, v0  }
0x170: {  	[tilespmem:v2+s8+$0x0] =	vst.idx.msk $0xffff, v0  }
0x171: {  	[tilespmem:v3+s8+$0x0] =	vst.idx.msk $0xffff, v0  }
0x172: {  	[tilespmem:v4+s8+$0x0] =	vst.idx.msk $0xffff, v0  }
0x173: {  	[tilespmem:v5+s8+$0x0] =	vst.idx.msk $0xffff, v0  }
0x174: {  	[tilespmem:v6+s8+$0x0] =	vst.idx.msk $0xffff, v0  }
0x175: {  	[tilespmem:v7+s8+$0x0] =	vst.idx.msk $0xffff, v0  }
0x176: {  	[tilespmem:v8+s8+$0x0] =	vst.idx.msk $0xffff, v0  }
0x177: {  	[tilespmem:v9+s8+$0x0] =	vst.idx.msk $0xffff, v0  }
0x178: {  	[tilespmem:v10+s8+$0x0] =	vst.idx.msk $0xffff, v0  }
0x179: {  	[tilespmem:v11+s8+$0x0] =	vst.idx.msk $0xffff, v0  }
0x17a: {  	[tilespmem:v12+s8+$0x0] =	vst.idx.msk $0xffff, v0  }
0x17b: {  	[tilespmem:v13+s8+$0x0] =	vst.idx.msk $0xffff, v0  }
0x17c: {  	[tilespmem:v14+s8+$0x0] =	vst.idx.msk $0xffff, v0  }
0x17d: {  	[tilespmem:v15+s8+$0x0] =	vst.idx.msk $0xffff, v0  }
0x17e: {  	[tilespmem:v16+s8+$0x0] =	vst.idx.msk $0xffff, v0  }
0x17f: {  	[tilespmem:v17+s8+$0x0] =	vst.idx.msk $0xffff, v0  }
0x180: {  	[tilespmem:v18+s8+$0x0] =	vst.idx.msk $0xffff, v0  }
0x181: {  	[tilespmem:v19+s8+$0x0] =	vst.idx.msk $0xffff, v0  }
0x182: {  	[tilespmem:v20+s8+$0x0] =	vst.idx.msk $0xffff, v0  }
0x183: {  	[tilespmem:v21+s8+$0x0] =	vst.idx.msk $0xffff, v0  }
0x184: {  	[tilespmem:v22+s8+$0x0] =	vst.idx.msk $0xffff, v0  }
0x185: {  	[tilespmem:v23+s8+$0x0] =	vst.idx.msk $0xffff, v0  }
0x186: {  	[tilespmem:v24+s8+$0x0] =	vst.idx.msk $0xffff, v0  }
0x187: {  	[tilespmem:v25+s8+$0x0] =	vst.idx.msk $0x3, v0  }
0x188: {  	[tilespmem:v26+s8+$0x0] =	vst.idx.msk $0x3, v0  }
0x189: {  	[tilespmem:v27+s8+$0x0] =	vst.idx.msk $0x3, v0  }
0x18a: {  	[tilespmem:v28+s8+$0x0] =	vst.idx.msk $0x3, v0  }
0x18b: {  	[tilespmem:v29+s8+$0x0] =	vst.idx.msk $0x3, v0  }
0x18c: {  	[tilespmem:v30+s8+$0x0] =	vst.idx.msk $0x3, v0  }
0x18d: {  	[tilespmem:v31+s8+$0x0] =	vst.idx.msk $0x3, v0  }
0x18e: {  	s12 =	simm.s32 $0x0;
	s13 =	smov.u32 s5;
	[tilespmem:v32+s8+$0x0] =	vst.idx.msk $0x3, v0  }
.LBB2_6:
0x18f: {  	p0 =	seq.s32 s12, $0x0  }
0x190: {  	_ =	swait.ge @!p0 [sflag:s9], $0xE000  }
0x191: {  	s14 =	simm.s32 $0x0;
	[sflag:s9] =	ssyncset.done @!p0 $0x0  }
0x192: {  	s14 =	sshra.s32 @!p0 s12, $0x2;
	[sflag:s9] =	ssyncadd.s32 @!p0 $0xFFFF2000  }
0x193: {  	v38 =	vld @!p0 [tilespmem:s14+$0xFFFFFF00];
	_ =	sdelay $0x4  }
0x194: {  	v39 =	vshll.u32 @!p0 v38, $0x3  }
0x195: {  	v38 =	vand.u32 @!p0 $0x7F, v38;
	v39 =	vand.u32 @!p0 $0xFFFFFC00, v39  }
0x196: {  	v38 =	vor.u32 @!p0 v38, v39  }
0x197: {  	v38 =	vadd.s32 @!p0 v33, v38;
	_ =	sdelay $0x4  }
0x198: {  	[tilespmem:v38+s7+$0x0] =	vst.idx.msk @!p0 $0xffff, v0  }
0x199: {  	v38 =	vld @!p0 [tilespmem:s14+$0xFFFFFF10];
	_ =	sdelay $0x4  }
0x19a: {  	v39 =	vshll.u32 @!p0 v38, $0x3  }
0x19b: {  	v38 =	vand.u32 @!p0 $0x7F, v38;
	v39 =	vand.u32 @!p0 $0xFFFFFC00, v39  }
0x19c: {  	v38 =	vor.u32 @!p0 v38, v39  }
0x19d: {  	v38 =	vadd.s32 @!p0 v35, v38;
	_ =	sdelay $0x4  }
0x19e: {  	[tilespmem:v38+s7+$0x0] =	vst.idx.msk @!p0 $0xffff, v0  }
0x19f: {  	v38 =	vld @!p0 [tilespmem:s14+$0xFFFFFF20];
	_ =	sdelay $0x4  }
0x1a0: {  	v39 =	vshll.u32 @!p0 v38, $0x3  }
0x1a1: {  	v38 =	vand.u32 @!p0 $0x7F, v38;
	v39 =	vand.u32 @!p0 $0xFFFFFC00, v39  }
0x1a2: {  	v38 =	vor.u32 @!p0 v38, v39  }
0x1a3: {  	v38 =	vadd.s32 @!p0 v36, v38;
	_ =	sdelay $0x4  }
0x1a4: {  	[tilespmem:v38+s7+$0x0] =	vst.idx.msk @!p0 $0xffff, v0  }
0x1a5: {  	v38 =	vld @!p0 [tilespmem:s14+$0xFFFFFF30];
	_ =	sdelay $0x4  }
0x1a6: {  	v39 =	vshll.u32 @!p0 v38, $0x3  }
0x1a7: {  	v38 =	vand.u32 @!p0 $0x7F, v38;
	v39 =	vand.u32 @!p0 $0xFFFFFC00, v39  }
0x1a8: {  	v38 =	vor.u32 @!p0 v38, v39  }
0x1a9: {  	v38 =	vadd.s32 @!p0 v37, v38;
	_ =	sdelay $0x3  }
0x1aa: {  	s14 =	smov.u32 @!p0 s12  }
0x1ab: {  	s14 =	sshra.s32 s14, $0x2;
	[tilespmem:v38+s7+$0x0] =	vst.idx.msk @!p0 $0x3, v0  }
0x1ac: {  	v38 =	vld [tilespmem:s14+$0x0];
	_ =	sdelay $0x4  }
0x1ad: {  	v56 =	vshll.u32 v38, $0x3  }
0x1ae: {  	v38 =	vand.u32 $0x7F, v38;
	v39 =	vand.u32 $0xFFFFFC00, v56  }
0x1af: {  	v38 =	vor.u32 v38, v39  }
0x1b0: {  	v38 =	vadd.s32 v33, v38;
	_ =	sdelay $0x4  }
0x1b1: {  	[tilespmem:v38+s7+$0x0] =	vst.idx.msk $0xffff, v34  }
0x1b2: {  	v38 =	vld [tilespmem:s14+$0x10];
	_ =	sdelay $0x4  }
0x1b3: {  	v57 =	vshll.u32 v38, $0x3  }
0x1b4: {  	v38 =	vand.u32 $0x7F, v38;
	v39 =	vand.u32 $0xFFFFFC00, v57  }
0x1b5: {  	v38 =	vor.u32 v38, v39  }
0x1b6: {  	v38 =	vadd.s32 v35, v38;
	_ =	sdelay $0x4  }
0x1b7: {  	[tilespmem:v38+s7+$0x0] =	vst.idx.msk $0xffff, v34  }
0x1b8: {  	v38 =	vld [tilespmem:s14+$0x20];
	_ =	sdelay $0x4  }
0x1b9: {  	v58 =	vshll.u32 v38, $0x3  }
0x1ba: {  	v38 =	vand.u32 $0x7F, v38;
	v39 =	vand.u32 $0xFFFFFC00, v58  }
0x1bb: {  	v38 =	vor.u32 v38, v39  }
0x1bc: {  	v38 =	vadd.s32 v36, v38;
	_ =	sdelay $0x4  }
0x1bd: {  	[tilespmem:v38+s7+$0x0] =	vst.idx.msk $0xffff, v34  }
0x1be: {  	v38 =	vld [tilespmem:s14+$0x30];
	_ =	sdelay $0x4  }
0x1bf: {  	v59 =	vshll.u32 v38, $0x3  }
0x1c0: {  	v38 =	vand.u32 $0x7F, v38;
	v39 =	vand.u32 $0xFFFFFC00, v59  }
0x1c1: {  	v38 =	vor.u32 v38, v39  }
0x1c2: {  	v38 =	vadd.s32 v37, v38;
	_ =	sdelay $0x4  }
0x1c3: {  	[tilespmem:v38+s7+$0x0] =	vst.idx.msk $0x3, v34  }
0x1c4: {  	[hbm4b:s13+s1] =	stream.linear.scatter [tilespmem:s7], [sflag:$0x2], $0xE000, $0x38;
	[tilespmem:$0x1D000] =	vst v63  }
0x1c5: {  	_ =	swait.ge @!p0 [sflag:s10], $0xE000  }
0x1c6: {  	[sflag:s10] =	ssyncset.done @!p0 $0x0  }
0x1c7: {  	[sflag:s10] =	ssyncadd.s32 @!p0 $0xFFFF2000  }
0x1c8: {  	v38 =	vld @!p0 [tilespmem:s14+$0xFFFFFF80];
	_ =	sdelay $0x4  }
0x1c9: {  	v39 =	vshll.u32 @!p0 v38, $0x3  }
0x1ca: {  	v38 =	vand.u32 @!p0 $0x7F, v38;
	v39 =	vand.u32 @!p0 $0xFFFFFC00, v39  }
0x1cb: {  	v38 =	vor.u32 @!p0 v38, v39  }
0x1cc: {  	v38 =	vadd.s32 @!p0 v33, v38;
	_ =	sdelay $0x4  }
0x1cd: {  	[tilespmem:v38+s8+$0x0] =	vst.idx.msk @!p0 $0xffff, v0  }
0x1ce: {  	v38 =	vld @!p0 [tilespmem:s14+$0xFFFFFF90];
	_ =	sdelay $0x4  }
0x1cf: {  	v39 =	vshll.u32 @!p0 v38, $0x3  }
0x1d0: {  	v38 =	vand.u32 @!p0 $0x7F, v38;
	v39 =	vand.u32 @!p0 $0xFFFFFC00, v39  }
0x1d1: {  	v38 =	vor.u32 @!p0 v38, v39  }
0x1d2: {  	v38 =	vadd.s32 @!p0 v35, v38;
	_ =	sdelay $0x4  }
0x1d3: {  	[tilespmem:v38+s8+$0x0] =	vst.idx.msk @!p0 $0xffff, v0  }
0x1d4: {  	v38 =	vld @!p0 [tilespmem:s14+$0xFFFFFFA0];
	_ =	sdelay $0x4  }
0x1d5: {  	v39 =	vshll.u32 @!p0 v38, $0x3  }
0x1d6: {  	v38 =	vand.u32 @!p0 $0x7F, v38;
	v39 =	vand.u32 @!p0 $0xFFFFFC00, v39  }
0x1d7: {  	v38 =	vor.u32 @!p0 v38, v39  }
0x1d8: {  	v38 =	vadd.s32 @!p0 v36, v38;
	_ =	sdelay $0x4  }
0x1d9: {  	[tilespmem:v38+s8+$0x0] =	vst.idx.msk @!p0 $0xffff, v0  }
0x1da: {  	v38 =	vld @!p0 [tilespmem:s14+$0xFFFFFFB0];
	_ =	sdelay $0x4  }
0x1db: {  	v39 =	vshll.u32 @!p0 v38, $0x3  }
0x1dc: {  	v38 =	vand.u32 @!p0 $0x7F, v38;
	v39 =	vand.u32 @!p0 $0xFFFFFC00, v39  }
0x1dd: {  	v38 =	vor.u32 @!p0 v38, v39  }
0x1de: {  	v38 =	vadd.s32 @!p0 v37, v38;
	_ =	sdelay $0x4  }
0x1df: {  	s30 =	sshra.s32 s12, $0x2;
	[tilespmem:v38+s8+$0x0] =	vst.idx.msk @!p0 $0x3, v0  }
0x1e0: {  	v38 =	vld [tilespmem:s30+$0x80];
	_ =	sdelay $0x4  }
0x1e1: {  	v60 =	vshll.u32 v38, $0x3  }
0x1e2: {  	v38 =	vand.u32 $0x7F, v38;
	v39 =	vand.u32 $0xFFFFFC00, v60  }
0x1e3: {  	v38 =	vor.u32 v38, v39  }
0x1e4: {  	v38 =	vadd.s32 v33, v38;
	_ =	sdelay $0x4  }
0x1e5: {  	[tilespmem:v38+s8+$0x0] =	vst.idx.msk $0xffff, v34  }
0x1e6: {  	v38 =	vld [tilespmem:s30+$0x90];
	_ =	sdelay $0x4  }
0x1e7: {  	v61 =	vshll.u32 v38, $0x3  }
0x1e8: {  	v38 =	vand.u32 $0x7F, v38;
	v39 =	vand.u32 $0xFFFFFC00, v61  }
0x1e9: {  	v38 =	vor.u32 v38, v39  }
0x1ea: {  	v38 =	vadd.s32 v35, v38;
	_ =	sdelay $0x4  }
0x1eb: {  	[tilespmem:v38+s8+$0x0] =	vst.idx.msk $0xffff, v34  }
0x1ec: {  	v38 =	vld [tilespmem:s30+$0xA0];
	_ =	sdelay $0x4  }
0x1ed: {  	v62 =	vshll.u32 v38, $0x3  }
0x1ee: {  	v38 =	vand.u32 $0x7F, v38;
	v39 =	vand.u32 $0xFFFFFC00, v62  }
0x1ef: {  	v38 =	vor.u32 v38, v39  }
0x1f0: {  	v38 =	vadd.s32 v36, v38;
	_ =	sdelay $0x4  }
0x1f1: {  	[tilespmem:v38+s8+$0x0] =	vst.idx.msk $0xffff, v34  }
0x1f2: {  	v38 =	vld [tilespmem:s30+$0xB0];
	_ =	sdelay $0x4  }
0x1f3: {  	v63 =	vshll.u32 v38, $0x3  }
0x1f4: {  	v38 =	vand.u32 $0x7F, v38;
	v39 =	vand.u32 $0xFFFFFC00, v63  }
0x1f5: {  	v38 =	vor.u32 v38, v39  }
0x1f6: {  	s12 =	sadd.s32 $0x400, s12;
	v38 =	vadd.s32 v37, v38  }
0x1f7: {  	p0 =	sne.s32 s12, $0x4000  }
.Ltmp2:
0x1f8: {  	_ = 	snop;
	(pc) =	sbr.rel @p0 .LBB2_6-.Ltmp2, $3  }
0x1f9: {  	_ =	sdelay $0x1  }
0x1fa: {  	s31 =	sadd.s32 $0x1C00, s13;
	s13 =	sadd.s32 $0x3800, s13;
	[tilespmem:v38+s8+$0x0] =	vst.idx.msk $0x3, v34  }
0x1fb: {  	[hbm4b:s31+s1] =	stream.linear.scatter [tilespmem:s8], [sflag:$0x3], $0xE000, $0x38;
	[tilespmem:$0x1D000] =	vst v63  }
0x1fc: {  	s11 =	sadd.s32 $0x1, s11  }
0x1fd: {  	_ =	swait.ge [sflag:s9], $0xE000;
	p0 =	sne.s32 s11, s4  }
.Ltmp3:
0x1fe: {  	[sflag:s9] =	ssyncset.done $0x0;
	(pc) =	sbr.rel @p0 .LBB2_1-.Ltmp3, $4  }
0x1ff: {  	[sflag:s9] =	ssyncadd.s32 $0xFFFF2000  }
0x200: {  	_ =	swait.ge [sflag:s10], $0xE000  }
0x201: {  	[sflag:s10] =	ssyncset.done $0x0  }
0x202: {  	[sflag:s10] =	ssyncadd.s32 $0xFFFF2000  }
0x203: {  	_ =	sfence.sel $0x180000  }
0x204: {  	[bflag:$0x0] =	sbarrier.arrive $0xFFFF  }
0x205: {  	p0 =	sne.s32 s2, $0x0;
	_ =	strace $0x90000047  }
0x206: {  	s0 =	sadd.s32 @!p0 $0x100000, s0;
	[bflag:$0x2] =	sbarrier.arrive $0xFFFF  }
0x207: {  	[sflag:s0] =	ssyncadd.tile.s32 @!p0 $0x1;
	_ =	shalt  }
.Lfunc_end2:
_tile_overlayer_lowered:
.L_overlay_start_2:
0x208: {  	(tag) =	ssettag $0x2  }
0x209: {  	s0 =	rddreg [dreg:$0x0];
	s2 =	stileid.u32  }
0x20a: {  	s1 =	rddreg [dreg:$0x1];
	p0 =	sne.s32 s2, $0x0  }
0x20b: {  	s3 =	rddreg [dreg:$0x2];
	[bflag:$0x3] =	sbarrier.arrive $0xFFFF;
	s2 =	simm.s32 @!p0 $0x1C04  }
0x20c: {  	[timem:s3], [sflag:s2] =	dma.local @!p0 [hbm:s0], s1  }
0x20d: {  	s0 =	simm.s32 @!p0 $0x4  }
0x20e: {  	_ =	swait.ge @!p0 [sflag:s0], s1  }
0x20f: {  	s1 =	ssub.s32 @!p0 $0x0, s1;
	[sflag:s0] =	ssyncset.done @!p0 $0x0  }
0x210: {  	[sflag:s0] =	ssyncadd.s32 @!p0 s1  }
0x211: {  	[bflag:$0x3] =	sbarrier.arrive $0xFFFF  }
0x212: {  	_ =	shalt  }

</sc_bundles>
